<compile_context>
chip_gen: v7x
topology: tpu7x:2x2x1
jax: 0.10.2.dev20260603
libtpu: 0.0.44.dev20260713+nightly
codegen_flags: <defaults>
</compile_context>

<pallas_src>
import functools

import jax
import jax.numpy as jnp
from jax import lax
from jax.experimental import pallas as pl
from jax.experimental.pallas import tpu as pltpu
from jax.experimental.pallas import tpu_sc as plsc

NUM_CLUSTERS = 8192
EMB_DIM = 256
L = 16
NC = 2
NS = 16
NW = NC * NS
R = NUM_CLUSTERS // NW
NCH = EMB_DIM // L
CHUNK = 64
NCHUNKS = R // CHUNK
UNROLL = 2


def _tree_sum(xs):
    while len(xs) > 1:
        xs = [xs[j] + xs[j + 1] for j in range(0, len(xs), 2)]
    return xs[0]


def _merge(vb0, vi0, vb1, vi1):
    take1 = (vb1 > vb0) | ((vb1 == vb0) & (vi1 < vi0))
    return jnp.where(take1, vb1, vb0), jnp.where(take1, vi1, vi0)


def _router_body(z_hbm, cent_hbm, val_out, idx_out,
                 z_v, buf0, buf1, val_v, idx_v, sem0, sem1):
    c = lax.axis_index("c")
    s = lax.axis_index("s")
    wid = c * NS + s
    base = wid * R

    pltpu.sync_copy(z_hbm, z_v)

    bufs = (buf0, buf1)
    sems = (sem0, sem1)
    copies = {}
    copies[0] = pltpu.async_copy(
        cent_hbm.at[pl.ds(base, CHUNK), :], bufs[0], sems[0])

    zc = [z_v[pl.ds(k * L, L)] for k in range(NCH)]
    zsq_scan = plsc.cumsum(_tree_sum([z * z for z in zc]))

    neg_inf = jnp.full((L,), -jnp.inf, dtype=jnp.float32)
    zero_idx = jnp.zeros((L,), dtype=jnp.int32)
    eps = jnp.full((L,), 1e-16, dtype=jnp.float32)

    carry = (neg_inf, zero_idx)
    for ch in range(NCHUNKS):
        if ch + 1 < NCHUNKS:
            copies[ch + 1] = pltpu.async_copy(
                cent_hbm.at[pl.ds(base + (ch + 1) * CHUNK, CHUNK), :],
                bufs[(ch + 1) % 2], sems[(ch + 1) % 2])
        copies[ch].wait()
        buf = bufs[ch % 2]
        gbase = base + ch * CHUNK

        @plsc.parallel_loop(0, CHUNK, unroll=UNROLL, carry=carry)
        def row_step(r, cy):
            vb, vi = cy
            da = [None] * 4
            sa = [None] * 4
            for k in range(NCH):
                v = buf[r, pl.ds(k * L, L)]
                p = v * zc[k]
                q = v * v
                da[k % 4] = p if da[k % 4] is None else da[k % 4] + p
                sa[k % 4] = q if sa[k % 4] is None else sa[k % 4] + q
            d = plsc.cumsum((da[0] + da[1]) + (da[2] + da[3]))
            sq = plsc.cumsum((sa[0] + sa[1]) + (sa[2] + sa[3]))
            t = d * jnp.abs(d) / jnp.maximum(zsq_scan * sq, eps)
            m = t > vb
            iu = zero_idx + (gbase + r)
            return jnp.where(m, t, vb), jnp.where(m, iu, vi)

        carry = row_step

    vbest, vbidx = carry

    val_v[...] = vbest
    idx_v[...] = vbidx
    pltpu.sync_copy(val_v, val_out.at[wid])
    pltpu.sync_copy(idx_v, idx_out.at[wid])


_router = pl.kernel(
    _router_body,
    mesh=plsc.VectorSubcoreMesh(core_axis_name="c", subcore_axis_name="s"),
    compiler_params=pltpu.CompilerParams(needs_layout_passes=False),
    out_type=[
        jax.ShapeDtypeStruct((NW, L), jnp.float32),
        jax.ShapeDtypeStruct((NW, L), jnp.int32),
    ],
    scratch_types=[
        pltpu.VMEM((EMB_DIM,), jnp.float32),
        pltpu.VMEM((CHUNK, EMB_DIM), jnp.float32),
        pltpu.VMEM((CHUNK, EMB_DIM), jnp.float32),
        pltpu.VMEM((L,), jnp.float32),
        pltpu.VMEM((L,), jnp.int32),
        pltpu.SemaphoreType.DMA,
        pltpu.SemaphoreType.DMA,
    ],
)


@jax.jit
def kernel(z, centroids):
    vals, idxs = _router(z, centroids)
    t = jnp.argmax(vals[:, L - 1])
    return idxs[t, L - 1]

# --- scband reference (transcript-rebuilt; emitter-appended) ---
"""Pipeline reference for scband-nearest-centroid-router-64690797412870 (READ-ONLY COPY).

The authoritative reference and input builder live on the scoring server;
editing this copy changes nothing except your own understanding.
"""

import jax, jax.numpy as jnp
import numpy as np

NUM_CLUSTERS = 8192
EMB_DIM = 256


def setup_inputs(seed: int = 0) -> dict:
    key = jax.random.key(seed)
    k1, k2 = jax.random.split(key)
    z = jax.random.normal(k1, (EMB_DIM,), dtype=jnp.float32)
    # Centroid buffer: randn init then L2-normalized rows (as in the torch module's
    # registered buffer; the one-time decorrelation loop only perturbs the init).
    cent = jax.random.normal(k2, (NUM_CLUSTERS, EMB_DIM), dtype=jnp.float32)
    cent = cent / jnp.maximum(jnp.linalg.norm(cent, axis=1, keepdims=True), 1e-12)
    return {"z": z, "centroids": cent}


def reference(z, centroids):
    # F.cosine_similarity(z.unsqueeze(0), centroids, dim=1) with eps=1e-8
    zn = jnp.linalg.norm(z)
    cn = jnp.linalg.norm(centroids, axis=1)
    denom = jnp.maximum(zn * cn, 1e-8)
    sims = (centroids @ z) / denom
    # eval-mode path (self.training == False): greedy argmax cluster index
    return jnp.argmax(sims)

if __name__ == "__main__":
    import jax
    _d = setup_inputs()
    print(jax.jit(kernel)(*tuple(_d.values())))

</pallas_src>

<mosaic_0001>
#map = affine_map<(d0, d1) -> (0)>
#map1 = affine_map<(d0, d1) -> (0, 0)>
module attributes {stable_mosaic.version = 14 : i64} {
  func.func @_router_body(%arg0: i32, %arg1: i32, %arg2: memref<256xf32, #tpu.memory_space<hbm>>, %arg3: memref<8192x256xf32, #tpu.memory_space<hbm>>, %arg4: memref<32x16xf32, #tpu.memory_space<hbm>>, %arg5: memref<32x16xi32, #tpu.memory_space<hbm>>, %arg6: memref<256xf32, #tpu.memory_space<vmem>>, %arg7: memref<64x256xf32, #tpu.memory_space<vmem>>, %arg8: memref<64x256xf32, #tpu.memory_space<vmem>>, %arg9: memref<16xf32, #tpu.memory_space<vmem>>, %arg10: memref<16xi32, #tpu.memory_space<vmem>>, %arg11: memref<!tpu.dma_semaphore, #tpu.memory_space<semaphore_mem>>, %arg12: memref<!tpu.dma_semaphore, #tpu.memory_space<semaphore_mem>>) attributes {dimension_semantics = [#tpu.dimension_semantics<core_parallel>, #tpu.dimension_semantics<subcore_parallel>], iteration_bounds = array<i64: 2, 16>, scalar_prefetch = 0 : i64, scratch_operands = 7 : i64, tpu.core_type = #tpu.core_type<sc_vector_subcore>, window_params = [{transform_indices = #map}, {transform_indices = #map1}, {transform_indices = #map1}, {transform_indices = #map1}]} {
    %mul3A = arith.constant 16 : i32
    %mul3A_0 = arith.muli %arg0, %mul3A : i32
    %add3A = arith.addi %mul3A_0, %arg1 : i32
    %mul3A_1 = arith.constant 256 : i32
    %mul3A_2 = arith.muli %add3A, %mul3A_1 : i32
    "tpu.region"() ({
      %run_scoped3A = tpu.sem_alloc : memref<!tpu.dma_semaphore, #tpu.memory_space<semaphore_mem>>
      tpu.enqueue_dma source(%arg2 : memref<256xf32, #tpu.memory_space<hbm>>) target(%arg6 : memref<256xf32, #tpu.memory_space<vmem>>) target_semaphore(%run_scoped3A : memref<!tpu.dma_semaphore, #tpu.memory_space<semaphore_mem>>)
      tpu.wait_dma2 semaphore(%run_scoped3A : memref<!tpu.dma_semaphore, #tpu.memory_space<semaphore_mem>>) src(%arg2 : memref<256xf32, #tpu.memory_space<hbm>>) dst(%arg6 : memref<256xf32, #tpu.memory_space<vmem>>)
      tpu.yield
    }) : () -> ()
    %dma_start3A = arith.constant 0 : i32
    %dma_start3A_3 = tpu.memref_slice %arg3[%mul3A_2, %dma_start3A] : memref<8192x256xf32, #tpu.memory_space<hbm>> -> memref<64x256xf32, #tpu.memory_space<hbm>>
    %dma_start3A_4 = arith.constant 0 : i32
    %dma_start3A_5 = tpu.memref_slice %arg3[%mul3A_2, %dma_start3A_4] : memref<8192x256xf32, #tpu.memory_space<hbm>> -> memref<64x256xf32, #tpu.memory_space<hbm>>
    tpu.enqueue_dma source(%dma_start3A_5 : memref<64x256xf32, #tpu.memory_space<hbm>>) target(%arg7 : memref<64x256xf32, #tpu.memory_space<vmem>>) target_semaphore(%arg11 : memref<!tpu.dma_semaphore, #tpu.memory_space<semaphore_mem>>)
    %get3A = arith.constant 0 : index
    %get3A_6 = tpu.vector_load %arg6[%get3A] {strides = array<i32>} : memref<256xf32, #tpu.memory_space<vmem>>, vector<16xf32>,
    %get3A_7 = arith.constant 16 : index
    %get3A_8 = tpu.vector_load %arg6[%get3A_7] {strides = array<i32>} : memref<256xf32, #tpu.memory_space<vmem>>, vector<16xf32>,
    %get3A_9 = arith.constant 32 : index
    %get3A_10 = tpu.vector_load %arg6[%get3A_9] {strides = array<i32>} : memref<256xf32, #tpu.memory_space<vmem>>, vector<16xf32>,
    %get3A_11 = arith.constant 48 : index
    %get3A_12 = tpu.vector_load %arg6[%get3A_11] {strides = array<i32>} : memref<256xf32, #tpu.memory_space<vmem>>, vector<16xf32>,
    %get3A_13 = arith.constant 64 : index
    %get3A_14 = tpu.vector_load %arg6[%get3A_13] {strides = array<i32>} : memref<256xf32, #tpu.memory_space<vmem>>, vector<16xf32>,
    %get3A_15 = arith.constant 80 : index
    %get3A_16 = tpu.vector_load %arg6[%get3A_15] {strides = array<i32>} : memref<256xf32, #tpu.memory_space<vmem>>, vector<16xf32>,
    %get3A_17 = arith.constant 96 : index
    %get3A_18 = tpu.vector_load %arg6[%get3A_17] {strides = array<i32>} : memref<256xf32, #tpu.memory_space<vmem>>, vector<16xf32>,
    %get3A_19 = arith.constant 112 : index
    %get3A_20 = tpu.vector_load %arg6[%get3A_19] {strides = array<i32>} : memref<256xf32, #tpu.memory_space<vmem>>, vector<16xf32>,
    %get3A_21 = arith.constant 128 : index
    %get3A_22 = tpu.vector_load %arg6[%get3A_21] {strides = array<i32>} : memref<256xf32, #tpu.memory_space<vmem>>, vector<16xf32>,
    %get3A_23 = arith.constant 144 : index
    %get3A_24 = tpu.vector_load %arg6[%get3A_23] {strides = array<i32>} : memref<256xf32, #tpu.memory_space<vmem>>, vector<16xf32>,
    %get3A_25 = arith.constant 160 : index
    %get3A_26 = tpu.vector_load %arg6[%get3A_25] {strides = array<i32>} : memref<256xf32, #tpu.memory_space<vmem>>, vector<16xf32>,
    %get3A_27 = arith.constant 176 : index
    %get3A_28 = tpu.vector_load %arg6[%get3A_27] {strides = array<i32>} : memref<256xf32, #tpu.memory_space<vmem>>, vector<16xf32>,
    %get3A_29 = arith.constant 192 : index
    %get3A_30 = tpu.vector_load %arg6[%get3A_29] {strides = array<i32>} : memref<256xf32, #tpu.memory_space<vmem>>, vector<16xf32>,
    %get3A_31 = arith.constant 208 : index
    %get3A_32 = tpu.vector_load %arg6[%get3A_31] {strides = array<i32>} : memref<256xf32, #tpu.memory_space<vmem>>, vector<16xf32>,
    %get3A_33 = arith.constant 224 : index
    %get3A_34 = tpu.vector_load %arg6[%get3A_33] {strides = array<i32>} : memref<256xf32, #tpu.memory_space<vmem>>, vector<16xf32>,
    %get3A_35 = arith.constant 240 : index
    %get3A_36 = tpu.vector_load %arg6[%get3A_35] {strides = array<i32>} : memref<256xf32, #tpu.memory_space<vmem>>, vector<16xf32>,
    %mul3A_37 = arith.mulf %get3A_6, %get3A_6 : vector<16xf32>
    %mul3A_38 = arith.mulf %get3A_8, %get3A_8 : vector<16xf32>
    %mul3A_39 = arith.mulf %get3A_10, %get3A_10 : vector<16xf32>
    %mul3A_40 = arith.mulf %get3A_12, %get3A_12 : vector<16xf32>
    %mul3A_41 = arith.mulf %get3A_14, %get3A_14 : vector<16xf32>
    %mul3A_42 = arith.mulf %get3A_16, %get3A_16 : vector<16xf32>
    %mul3A_43 = arith.mulf %get3A_18, %get3A_18 : vector<16xf32>
    %mul3A_44 = arith.mulf %get3A_20, %get3A_20 : vector<16xf32>
    %mul3A_45 = arith.mulf %get3A_22, %get3A_22 : vector<16xf32>
    %mul3A_46 = arith.mulf %get3A_24, %get3A_24 : vector<16xf32>
    %mul3A_47 = arith.mulf %get3A_26, %get3A_26 : vector<16xf32>
    %mul3A_48 = arith.mulf %get3A_28, %get3A_28 : vector<16xf32>
    %mul3A_49 = arith.mulf %get3A_30, %get3A_30 : vector<16xf32>
    %mul3A_50 = arith.mulf %get3A_32, %get3A_32 : vector<16xf32>
    %mul3A_51 = arith.mulf %get3A_34, %get3A_34 : vector<16xf32>
    %mul3A_52 = arith.mulf %get3A_36, %get3A_36 : vector<16xf32>
    %add3A_53 = arith.addf %mul3A_37, %mul3A_38 : vector<16xf32>
    %add3A_54 = arith.addf %mul3A_39, %mul3A_40 : vector<16xf32>
    %add3A_55 = arith.addf %mul3A_41, %mul3A_42 : vector<16xf32>
    %add3A_56 = arith.addf %mul3A_43, %mul3A_44 : vector<16xf32>
    %add3A_57 = arith.addf %mul3A_45, %mul3A_46 : vector<16xf32>
    %add3A_58 = arith.addf %mul3A_47, %mul3A_48 : vector<16xf32>
    %add3A_59 = arith.addf %mul3A_49, %mul3A_50 : vector<16xf32>
    %add3A_60 = arith.addf %mul3A_51, %mul3A_52 : vector<16xf32>
    %add3A_61 = arith.addf %add3A_53, %add3A_54 : vector<16xf32>
    %add3A_62 = arith.addf %add3A_55, %add3A_56 : vector<16xf32>
    %add3A_63 = arith.addf %add3A_57, %add3A_58 : vector<16xf32>
    %add3A_64 = arith.addf %add3A_59, %add3A_60 : vector<16xf32>
    %add3A_65 = arith.addf %add3A_61, %add3A_62 : vector<16xf32>
    %add3A_66 = arith.addf %add3A_63, %add3A_64 : vector<16xf32>
    %add3A_67 = arith.addf %add3A_65, %add3A_66 : vector<16xf32>
    %broadcast_in_dim3A = arith.constant true
    %broadcast_in_dim3A_68 = vector.broadcast %broadcast_in_dim3A : i1 to vector<16xi1>
    %masked_cumsum3A = tpu.scan <sum>, %add3A_67 masked %broadcast_in_dim3A_68 : vector<16xf32>, vector<16xi1> -> vector<16xf32>
    %broadcast_in_dim3A_69 = arith.constant 0xFF800000 : f32
    %broadcast_in_dim3A_70 = vector.broadcast %broadcast_in_dim3A_69 : f32 to vector<16xf32>
    %broadcast_in_dim3A_71 = arith.constant 0 : i32
    %broadcast_in_dim3A_72 = vector.broadcast %broadcast_in_dim3A_71 : i32 to vector<16xi32>
    %broadcast_in_dim3A_73 = arith.constant 1.000000e-16 : f32
    %broadcast_in_dim3A_74 = vector.broadcast %broadcast_in_dim3A_73 : f32 to vector<16xf32>
    %add3A_75 = arith.constant 64 : i32
    %add3A_76 = arith.addi %mul3A_2, %add3A_75 : i32
    %dma_start3A_77 = arith.constant 0 : i32
    %dma_start3A_78 = tpu.memref_slice %arg3[%add3A_76, %dma_start3A_77] : memref<8192x256xf32, #tpu.memory_space<hbm>> -> memref<64x256xf32, #tpu.memory_space<hbm>>
    %dma_start3A_79 = arith.constant 0 : i32
    %dma_start3A_80 = tpu.memref_slice %arg3[%add3A_76, %dma_start3A_79] : memref<8192x256xf32, #tpu.memory_space<hbm>> -> memref<64x256xf32, #tpu.memory_space<hbm>>
    tpu.enqueue_dma source(%dma_start3A_80 : memref<64x256xf32, #tpu.memory_space<hbm>>) target(%arg8 : memref<64x256xf32, #tpu.memory_space<vmem>>) target_semaphore(%arg12 : memref<!tpu.dma_semaphore, #tpu.memory_space<semaphore_mem>>)
    %dma_wait3A = arith.constant 0 : i32
    %dma_wait3A_81 = tpu.memref_slice %arg3[%mul3A_2, %dma_wait3A] : memref<8192x256xf32, #tpu.memory_space<hbm>> -> memref<64x256xf32, #tpu.memory_space<hbm>>
    %dma_wait3A_82 = arith.constant 0 : i32
    %dma_wait3A_83 = tpu.memref_slice %arg3[%mul3A_2, %dma_wait3A_82] : memref<8192x256xf32, #tpu.memory_space<hbm>> -> memref<64x256xf32, #tpu.memory_space<hbm>>
    tpu.wait_dma2 semaphore(%arg11 : memref<!tpu.dma_semaphore, #tpu.memory_space<semaphore_mem>>) src(%dma_wait3A_83 : memref<64x256xf32, #tpu.memory_space<hbm>>) dst(%arg7 : memref<64x256xf32, #tpu.memory_space<vmem>>)
    %add3A_84 = arith.constant 0 : i32
    %add3A_85 = arith.addi %mul3A_2, %add3A_84 : i32
    %parallel_loop3A = arith.constant 0 : i32
    %parallel_loop3A_86 = arith.constant 64 : i32
    %parallel_loop3A_87 = arith.constant 1 : i32
    %parallel_loop3A_88:2 = scf.for %parallel_loop3A_134 = %parallel_loop3A to %parallel_loop3A_86 step %parallel_loop3A_87 iter_args(%parallel_loop3A_135 = %broadcast_in_dim3A_70, %parallel_loop3A_136 = %broadcast_in_dim3A_72) -> (vector<16xf32>, vector<16xi32>)  : i32 {
      %parallel_loop3A_137 = arith.index_cast %parallel_loop3A_134 : i32 to index
      %parallel_loop3A_138 = arith.constant 0 : index
      %parallel_loop3A_139 = tpu.vector_load %arg7[%parallel_loop3A_137, %parallel_loop3A_138] {strides = array<i32>} : memref<64x256xf32, #tpu.memory_space<vmem>>, vector<16xf32>,
      %parallel_loop3A_140 = arith.mulf %parallel_loop3A_139, %get3A_6 : vector<16xf32>
      %parallel_loop3A_141 = arith.mulf %parallel_loop3A_139, %parallel_loop3A_139 : vector<16xf32>
      %parallel_loop3A_142 = arith.index_cast %parallel_loop3A_134 : i32 to index
      %parallel_loop3A_143 = arith.constant 16 : index
      %parallel_loop3A_144 = tpu.vector_load %arg7[%parallel_loop3A_142, %parallel_loop3A_143] {strides = array<i32>} : memref<64x256xf32, #tpu.memory_space<vmem>>, vector<16xf32>,
      %parallel_loop3A_145 = arith.mulf %parallel_loop3A_144, %get3A_8 : vector<16xf32>
      %parallel_loop3A_146 = arith.mulf %parallel_loop3A_144, %parallel_loop3A_144 : vector<16xf32>
      %parallel_loop3A_147 = arith.index_cast %parallel_loop3A_134 : i32 to index
      %parallel_loop3A_148 = arith.constant 32 : index
      %parallel_loop3A_149 = tpu.vector_load %arg7[%parallel_loop3A_147, %parallel_loop3A_148] {strides = array<i32>} : memref<64x256xf32, #tpu.memory_space<vmem>>, vector<16xf32>,
      %parallel_loop3A_150 = arith.mulf %parallel_loop3A_149, %get3A_10 : vector<16xf32>
      %parallel_loop3A_151 = arith.mulf %parallel_loop3A_149, %parallel_loop3A_149 : vector<16xf32>
      %parallel_loop3A_152 = arith.index_cast %parallel_loop3A_134 : i32 to index
      %parallel_loop3A_153 = arith.constant 48 : index
      %parallel_loop3A_154 = tpu.vector_load %arg7[%parallel_loop3A_152, %parallel_loop3A_153] {strides = array<i32>} : memref<64x256xf32, #tpu.memory_space<vmem>>, vector<16xf32>,
      %parallel_loop3A_155 = arith.mulf %parallel_loop3A_154, %get3A_12 : vector<16xf32>
      %parallel_loop3A_156 = arith.mulf %parallel_loop3A_154, %parallel_loop3A_154 : vector<16xf32>
      %parallel_loop3A_157 = arith.index_cast %parallel_loop3A_134 : i32 to index
      %parallel_loop3A_158 = arith.constant 64 : index
      %parallel_loop3A_159 = tpu.vector_load %arg7[%parallel_loop3A_157, %parallel_loop3A_158] {strides = array<i32>} : memref<64x256xf32, #tpu.memory_space<vmem>>, vector<16xf32>,
      %parallel_loop3A_160 = arith.mulf %parallel_loop3A_159, %get3A_14 : vector<16xf32>
      %parallel_loop3A_161 = arith.mulf %parallel_loop3A_159, %parallel_loop3A_159 : vector<16xf32>
      %parallel_loop3A_162 = arith.addf %parallel_loop3A_140, %parallel_loop3A_160 : vector<16xf32>
      %parallel_loop3A_163 = arith.addf %parallel_loop3A_141, %parallel_loop3A_161 : vector<16xf32>
      %parallel_loop3A_164 = arith.index_cast %parallel_loop3A_134 : i32 to index
      %parallel_loop3A_165 = arith.constant 80 : index
      %parallel_loop3A_166 = tpu.vector_load %arg7[%parallel_loop3A_164, %parallel_loop3A_165] {strides = array<i32>} : memref<64x256xf32, #tpu.memory_space<vmem>>, vector<16xf32>,
      %parallel_loop3A_167 = arith.mulf %parallel_loop3A_166, %get3A_16 : vector<16xf32>
      %parallel_loop3A_168 = arith.mulf %parallel_loop3A_166, %parallel_loop3A_166 : vector<16xf32>
      %parallel_loop3A_169 = arith.addf %parallel_loop3A_145, %parallel_loop3A_167 : vector<16xf32>
      %parallel_loop3A_170 = arith.addf %parallel_loop3A_146, %parallel_loop3A_168 : vector<16xf32>
      %parallel_loop3A_171 = arith.index_cast %parallel_loop3A_134 : i32 to index
      %parallel_loop3A_172 = arith.constant 96 : index
      %parallel_loop3A_173 = tpu.vector_load %arg7[%parallel_loop3A_171, %parallel_loop3A_172] {strides = array<i32>} : memref<64x256xf32, #tpu.memory_space<vmem>>, vector<16xf32>,
      %parallel_loop3A_174 = arith.mulf %parallel_loop3A_173, %get3A_18 : vector<16xf32>
      %parallel_loop3A_175 = arith.mulf %parallel_loop3A_173, %parallel_loop3A_173 : vector<16xf32>
      %parallel_loop3A_176 = arith.addf %parallel_loop3A_150, %parallel_loop3A_174 : vector<16xf32>
      %parallel_loop3A_177 = arith.addf %parallel_loop3A_151, %parallel_loop3A_175 : vector<16xf32>
      %parallel_loop3A_178 = arith.index_cast %parallel_loop3A_134 : i32 to index
      %parallel_loop3A_179 = arith.constant 112 : index
      %parallel_loop3A_180 = tpu.vector_load %arg7[%parallel_loop3A_178, %parallel_loop3A_179] {strides = array<i32>} : memref<64x256xf32, #tpu.memory_space<vmem>>, vector<16xf32>,
      %parallel_loop3A_181 = arith.mulf %parallel_loop3A_180, %get3A_20 : vector<16xf32>
      %parallel_loop3A_182 = arith.mulf %parallel_loop3A_180, %parallel_loop3A_180 : vector<16xf32>
      %parallel_loop3A_183 = arith.addf %parallel_loop3A_155, %parallel_loop3A_181 : vector<16xf32>
      %parallel_loop3A_184 = arith.addf %parallel_loop3A_156, %parallel_loop3A_182 : vector<16xf32>
      %parallel_loop3A_185 = arith.index_cast %parallel_loop3A_134 : i32 to index
      %parallel_loop3A_186 = arith.constant 128 : index
      %parallel_loop3A_187 = tpu.vector_load %arg7[%parallel_loop3A_185, %parallel_loop3A_186] {strides = array<i32>} : memref<64x256xf32, #tpu.memory_space<vmem>>, vector<16xf32>,
      %parallel_loop3A_188 = arith.mulf %parallel_loop3A_187, %get3A_22 : vector<16xf32>
      %parallel_loop3A_189 = arith.mulf %parallel_loop3A_187, %parallel_loop3A_187 : vector<16xf32>
      %parallel_loop3A_190 = arith.addf %parallel_loop3A_162, %parallel_loop3A_188 : vector<16xf32>
      %parallel_loop3A_191 = arith.addf %parallel_loop3A_163, %parallel_loop3A_189 : vector<16xf32>
      %parallel_loop3A_192 = arith.index_cast %parallel_loop3A_134 : i32 to index
      %parallel_loop3A_193 = arith.constant 144 : index
      %parallel_loop3A_194 = tpu.vector_load %arg7[%parallel_loop3A_192, %parallel_loop3A_193] {strides = array<i32>} : memref<64x256xf32, #tpu.memory_space<vmem>>, vector<16xf32>,
      %parallel_loop3A_195 = arith.mulf %parallel_loop3A_194, %get3A_24 : vector<16xf32>
      %parallel_loop3A_196 = arith.mulf %parallel_loop3A_194, %parallel_loop3A_194 : vector<16xf32>
      %parallel_loop3A_197 = arith.addf %parallel_loop3A_169, %parallel_loop3A_195 : vector<16xf32>
      %parallel_loop3A_198 = arith.addf %parallel_loop3A_170, %parallel_loop3A_196 : vector<16xf32>
      %parallel_loop3A_199 = arith.index_cast %parallel_loop3A_134 : i32 to index
      %parallel_loop3A_200 = arith.constant 160 : index
      %parallel_loop3A_201 = tpu.vector_load %arg7[%parallel_loop3A_199, %parallel_loop3A_200] {strides = array<i32>} : memref<64x256xf32, #tpu.memory_space<vmem>>, vector<16xf32>,
      %parallel_loop3A_202 = arith.mulf %parallel_loop3A_201, %get3A_26 : vector<16xf32>
      %parallel_loop3A_203 = arith.mulf %parallel_loop3A_201, %parallel_loop3A_201 : vector<16xf32>
      %parallel_loop3A_204 = arith.addf %parallel_loop3A_176, %parallel_loop3A_202 : vector<16xf32>
      %parallel_loop3A_205 = arith.addf %parallel_loop3A_177, %parallel_loop3A_203 : vector<16xf32>
      %parallel_loop3A_206 = arith.index_cast %parallel_loop3A_134 : i32 to index
      %parallel_loop3A_207 = arith.constant 176 : index
      %parallel_loop3A_208 = tpu.vector_load %arg7[%parallel_loop3A_206, %parallel_loop3A_207] {strides = array<i32>} : memref<64x256xf32, #tpu.memory_space<vmem>>, vector<16xf32>,
      %parallel_loop3A_209 = arith.mulf %parallel_loop3A_208, %get3A_28 : vector<16xf32>
      %parallel_loop3A_210 = arith.mulf %parallel_loop3A_208, %parallel_loop3A_208 : vector<16xf32>
      %parallel_loop3A_211 = arith.addf %parallel_loop3A_183, %parallel_loop3A_209 : vector<16xf32>
      %parallel_loop3A_212 = arith.addf %parallel_loop3A_184, %parallel_loop3A_210 : vector<16xf32>
      %parallel_loop3A_213 = arith.index_cast %parallel_loop3A_134 : i32 to index
      %parallel_loop3A_214 = arith.constant 192 : index
      %parallel_loop3A_215 = tpu.vector_load %arg7[%parallel_loop3A_213, %parallel_loop3A_214] {strides = array<i32>} : memref<64x256xf32, #tpu.memory_space<vmem>>, vector<16xf32>,
      %parallel_loop3A_216 = arith.mulf %parallel_loop3A_215, %get3A_30 : vector<16xf32>
      %parallel_loop3A_217 = arith.mulf %parallel_loop3A_215, %parallel_loop3A_215 : vector<16xf32>
      %parallel_loop3A_218 = arith.addf %parallel_loop3A_190, %parallel_loop3A_216 : vector<16xf32>
      %parallel_loop3A_219 = arith.addf %parallel_loop3A_191, %parallel_loop3A_217 : vector<16xf32>
      %parallel_loop3A_220 = arith.index_cast %parallel_loop3A_134 : i32 to index
      %parallel_loop3A_221 = arith.constant 208 : index
      %parallel_loop3A_222 = tpu.vector_load %arg7[%parallel_loop3A_220, %parallel_loop3A_221] {strides = array<i32>} : memref<64x256xf32, #tpu.memory_space<vmem>>, vector<16xf32>,
      %parallel_loop3A_223 = arith.mulf %parallel_loop3A_222, %get3A_32 : vector<16xf32>
      %parallel_loop3A_224 = arith.mulf %parallel_loop3A_222, %parallel_loop3A_222 : vector<16xf32>
      %parallel_loop3A_225 = arith.addf %parallel_loop3A_197, %parallel_loop3A_223 : vector<16xf32>
      %parallel_loop3A_226 = arith.addf %parallel_loop3A_198, %parallel_loop3A_224 : vector<16xf32>
      %parallel_loop3A_227 = arith.index_cast %parallel_loop3A_134 : i32 to index
      %parallel_loop3A_228 = arith.constant 224 : index
      %parallel_loop3A_229 = tpu.vector_load %arg7[%parallel_loop3A_227, %parallel_loop3A_228] {strides = array<i32>} : memref<64x256xf32, #tpu.memory_space<vmem>>, vector<16xf32>,
      %parallel_loop3A_230 = arith.mulf %parallel_loop3A_229, %get3A_34 : vector<16xf32>
      %parallel_loop3A_231 = arith.mulf %parallel_loop3A_229, %parallel_loop3A_229 : vector<16xf32>
      %parallel_loop3A_232 = arith.addf %parallel_loop3A_204, %parallel_loop3A_230 : vector<16xf32>
      %parallel_loop3A_233 = arith.addf %parallel_loop3A_205, %parallel_loop3A_231 : vector<16xf32>
      %parallel_loop3A_234 = arith.index_cast %parallel_loop3A_134 : i32 to index
      %parallel_loop3A_235 = arith.constant 240 : index
      %parallel_loop3A_236 = tpu.vector_load %arg7[%parallel_loop3A_234, %parallel_loop3A_235] {strides = array<i32>} : memref<64x256xf32, #tpu.memory_space<vmem>>, vector<16xf32>,
      %parallel_loop3A_237 = arith.mulf %parallel_loop3A_236, %get3A_36 : vector<16xf32>
      %parallel_loop3A_238 = arith.mulf %parallel_loop3A_236, %parallel_loop3A_236 : vector<16xf32>
      %parallel_loop3A_239 = arith.addf %parallel_loop3A_211, %parallel_loop3A_237 : vector<16xf32>
      %parallel_loop3A_240 = arith.addf %parallel_loop3A_212, %parallel_loop3A_238 : vector<16xf32>
      %parallel_loop3A_241 = arith.addf %parallel_loop3A_218, %parallel_loop3A_225 : vector<16xf32>
      %parallel_loop3A_242 = arith.addf %parallel_loop3A_232, %parallel_loop3A_239 : vector<16xf32>
      %parallel_loop3A_243 = arith.addf %parallel_loop3A_241, %parallel_loop3A_242 : vector<16xf32>
      %parallel_loop3A_244 = arith.constant true
      %parallel_loop3A_245 = vector.broadcast %parallel_loop3A_244 : i1 to vector<16xi1>
      %parallel_loop3A_246 = tpu.scan <sum>, %parallel_loop3A_243 masked %parallel_loop3A_245 : vector<16xf32>, vector<16xi1> -> vector<16xf32>
      %parallel_loop3A_247 = arith.addf %parallel_loop3A_219, %parallel_loop3A_226 : vector<16xf32>
      %parallel_loop3A_248 = arith.addf %parallel_loop3A_233, %parallel_loop3A_240 : vector<16xf32>
      %parallel_loop3A_249 = arith.addf %parallel_loop3A_247, %parallel_loop3A_248 : vector<16xf32>
      %parallel_loop3A_250 = arith.constant true
      %parallel_loop3A_251 = vector.broadcast %parallel_loop3A_250 : i1 to vector<16xi1>
      %parallel_loop3A_252 = tpu.scan <sum>, %parallel_loop3A_249 masked %parallel_loop3A_251 : vector<16xf32>, vector<16xi1> -> vector<16xf32>
      %parallel_loop3A_253 = math.absf %parallel_loop3A_246 : vector<16xf32>
      %parallel_loop3A_254 = arith.mulf %parallel_loop3A_246, %parallel_loop3A_253 : vector<16xf32>
      %parallel_loop3A_255 = arith.mulf %masked_cumsum3A, %parallel_loop3A_252 : vector<16xf32>
      %parallel_loop3A_256 = arith.maximumf %parallel_loop3A_255, %broadcast_in_dim3A_74 : vector<16xf32>
      %parallel_loop3A_257 = arith.divf %parallel_loop3A_254, %parallel_loop3A_256 : vector<16xf32>
      %parallel_loop3A_258 = arith.cmpf ogt, %parallel_loop3A_257, %parallel_loop3A_135 : vector<16xf32>
      %parallel_loop3A_259 = arith.addi %add3A_85, %parallel_loop3A_134 : i32
      %parallel_loop3A_260 = vector.broadcast %parallel_loop3A_259 : i32 to vector<16xi32>
      %parallel_loop3A_261 = arith.addi %broadcast_in_dim3A_72, %parallel_loop3A_260 : vector<16xi32>
      %parallel_loop3A_262 = arith.select %parallel_loop3A_258, %parallel_loop3A_257, %parallel_loop3A_135 : vector<16xi1>, vector<16xf32>
      %parallel_loop3A_263 = arith.select %parallel_loop3A_258, %parallel_loop3A_261, %parallel_loop3A_136 : vector<16xi1>, vector<16xi32>
      scf.yield %parallel_loop3A_262, %parallel_loop3A_263 : vector<16xf32>, vector<16xi32>
    } {sc.loop_unroll_factor = 2 : i64, sc.parallel_access}
    %add3A_89 = arith.constant 128 : i32
    %add3A_90 = arith.addi %mul3A_2, %add3A_89 : i32
    %dma_start3A_91 = arith.constant 0 : i32
    %dma_start3A_92 = tpu.memref_slice %arg3[%add3A_90, %dma_start3A_91] : memref<8192x256xf32, #tpu.memory_space<hbm>> -> memref<64x256xf32, #tpu.memory_space<hbm>>
    %dma_start3A_93 = arith.constant 0 : i32
    %dma_start3A_94 = tpu.memref_slice %arg3[%add3A_90, %dma_start3A_93] : memref<8192x256xf32, #tpu.memory_space<hbm>> -> memref<64x256xf32, #tpu.memory_space<hbm>>
    tpu.enqueue_dma source(%dma_start3A_94 : memref<64x256xf32, #tpu.memory_space<hbm>>) target(%arg7 : memref<64x256xf32, #tpu.memory_space<vmem>>) target_semaphore(%arg11 : memref<!tpu.dma_semaphore, #tpu.memory_space<semaphore_mem>>)
    %dma_wait3A_95 = arith.constant 0 : i32
    %dma_wait3A_96 = tpu.memref_slice %arg3[%add3A_76, %dma_wait3A_95] : memref<8192x256xf32, #tpu.memory_space<hbm>> -> memref<64x256xf32, #tpu.memory_space<hbm>>
    %dma_wait3A_97 = arith.constant 0 : i32
    %dma_wait3A_98 = tpu.memref_slice %arg3[%add3A_76, %dma_wait3A_97] : memref<8192x256xf32, #tpu.memory_space<hbm>> -> memref<64x256xf32, #tpu.memory_space<hbm>>
    tpu.wait_dma2 semaphore(%arg12 : memref<!tpu.dma_semaphore, #tpu.memory_space<semaphore_mem>>) src(%dma_wait3A_98 : memref<64x256xf32, #tpu.memory_space<hbm>>) dst(%arg8 : memref<64x256xf32, #tpu.memory_space<vmem>>)
    %add3A_99 = arith.constant 64 : i32
    %add3A_100 = arith.addi %mul3A_2, %add3A_99 : i32
    %parallel_loop3A_101 = arith.constant 0 : i32
    %parallel_loop3A_102 = arith.constant 64 : i32
    %parallel_loop3A_103 = arith.constant 1 : i32
    %parallel_loop3A_104:2 = scf.for %parallel_loop3A_134 = %parallel_loop3A_101 to %parallel_loop3A_102 step %parallel_loop3A_103 iter_args(%parallel_loop3A_135 = %parallel_loop3A_88#0, %parallel_loop3A_136 = %parallel_loop3A_88#1) -> (vector<16xf32>, vector<16xi32>)  : i32 {
      %parallel_loop3A_137 = arith.index_cast %parallel_loop3A_134 : i32 to index
      %parallel_loop3A_138 = arith.constant 0 : index
      %parallel_loop3A_139 = tpu.vector_load %arg8[%parallel_loop3A_137, %parallel_loop3A_138] {strides = array<i32>} : memref<64x256xf32, #tpu.memory_space<vmem>>, vector<16xf32>,
      %parallel_loop3A_140 = arith.mulf %parallel_loop3A_139, %get3A_6 : vector<16xf32>
      %parallel_loop3A_141 = arith.mulf %parallel_loop3A_139, %parallel_loop3A_139 : vector<16xf32>
      %parallel_loop3A_142 = arith.index_cast %parallel_loop3A_134 : i32 to index
      %parallel_loop3A_143 = arith.constant 16 : index
      %parallel_loop3A_144 = tpu.vector_load %arg8[%parallel_loop3A_142, %parallel_loop3A_143] {strides = array<i32>} : memref<64x256xf32, #tpu.memory_space<vmem>>, vector<16xf32>,
      %parallel_loop3A_145 = arith.mulf %parallel_loop3A_144, %get3A_8 : vector<16xf32>
      %parallel_loop3A_146 = arith.mulf %parallel_loop3A_144, %parallel_loop3A_144 : vector<16xf32>
      %parallel_loop3A_147 = arith.index_cast %parallel_loop3A_134 : i32 to index
      %parallel_loop3A_148 = arith.constant 32 : index
      %parallel_loop3A_149 = tpu.vector_load %arg8[%parallel_loop3A_147, %parallel_loop3A_148] {strides = array<i32>} : memref<64x256xf32, #tpu.memory_space<vmem>>, vector<16xf32>,
      %parallel_loop3A_150 = arith.mulf %parallel_loop3A_149, %get3A_10 : vector<16xf32>
      %parallel_loop3A_151 = arith.mulf %parallel_loop3A_149, %parallel_loop3A_149 : vector<16xf32>
      %parallel_loop3A_152 = arith.index_cast %parallel_loop3A_134 : i32 to index
      %parallel_loop3A_153 = arith.constant 48 : index
      %parallel_loop3A_154 = tpu.vector_load %arg8[%parallel_loop3A_152, %parallel_loop3A_153] {strides = array<i32>} : memref<64x256xf32, #tpu.memory_space<vmem>>, vector<16xf32>,
      %parallel_loop3A_155 = arith.mulf %parallel_loop3A_154, %get3A_12 : vector<16xf32>
      %parallel_loop3A_156 = arith.mulf %parallel_loop3A_154, %parallel_loop3A_154 : vector<16xf32>
      %parallel_loop3A_157 = arith.index_cast %parallel_loop3A_134 : i32 to index
      %parallel_loop3A_158 = arith.constant 64 : index
      %parallel_loop3A_159 = tpu.vector_load %arg8[%parallel_loop3A_157, %parallel_loop3A_158] {strides = array<i32>} : memref<64x256xf32, #tpu.memory_space<vmem>>, vector<16xf32>,
      %parallel_loop3A_160 = arith.mulf %parallel_loop3A_159, %get3A_14 : vector<16xf32>
      %parallel_loop3A_161 = arith.mulf %parallel_loop3A_159, %parallel_loop3A_159 : vector<16xf32>
      %parallel_loop3A_162 = arith.addf %parallel_loop3A_140, %parallel_loop3A_160 : vector<16xf32>
      %parallel_loop3A_163 = arith.addf %parallel_loop3A_141, %parallel_loop3A_161 : vector<16xf32>
      %parallel_loop3A_164 = arith.index_cast %parallel_loop3A_134 : i32 to index
      %parallel_loop3A_165 = arith.constant 80 : index
      %parallel_loop3A_166 = tpu.vector_load %arg8[%parallel_loop3A_164, %parallel_loop3A_165] {strides = array<i32>} : memref<64x256xf32, #tpu.memory_space<vmem>>, vector<16xf32>,
      %parallel_loop3A_167 = arith.mulf %parallel_loop3A_166, %get3A_16 : vector<16xf32>
      %parallel_loop3A_168 = arith.mulf %parallel_loop3A_166, %parallel_loop3A_166 : vector<16xf32>
      %parallel_loop3A_169 = arith.addf %parallel_loop3A_145, %parallel_loop3A_167 : vector<16xf32>
      %parallel_loop3A_170 = arith.addf %parallel_loop3A_146, %parallel_loop3A_168 : vector<16xf32>
      %parallel_loop3A_171 = arith.index_cast %parallel_loop3A_134 : i32 to index
      %parallel_loop3A_172 = arith.constant 96 : index
      %parallel_loop3A_173 = tpu.vector_load %arg8[%parallel_loop3A_171, %parallel_loop3A_172] {strides = array<i32>} : memref<64x256xf32, #tpu.memory_space<vmem>>, vector<16xf32>,
      %parallel_loop3A_174 = arith.mulf %parallel_loop3A_173, %get3A_18 : vector<16xf32>
      %parallel_loop3A_175 = arith.mulf %parallel_loop3A_173, %parallel_loop3A_173 : vector<16xf32>
      %parallel_loop3A_176 = arith.addf %parallel_loop3A_150, %parallel_loop3A_174 : vector<16xf32>
      %parallel_loop3A_177 = arith.addf %parallel_loop3A_151, %parallel_loop3A_175 : vector<16xf32>
      %parallel_loop3A_178 = arith.index_cast %parallel_loop3A_134 : i32 to index
      %parallel_loop3A_179 = arith.constant 112 : index
      %parallel_loop3A_180 = tpu.vector_load %arg8[%parallel_loop3A_178, %parallel_loop3A_179] {strides = array<i32>} : memref<64x256xf32, #tpu.memory_space<vmem>>, vector<16xf32>,
      %parallel_loop3A_181 = arith.mulf %parallel_loop3A_180, %get3A_20 : vector<16xf32>
      %parallel_loop3A_182 = arith.mulf %parallel_loop3A_180, %parallel_loop3A_180 : vector<16xf32>
      %parallel_loop3A_183 = arith.addf %parallel_loop3A_155, %parallel_loop3A_181 : vector<16xf32>
      %parallel_loop3A_184 = arith.addf %parallel_loop3A_156, %parallel_loop3A_182 : vector<16xf32>
      %parallel_loop3A_185 = arith.index_cast %parallel_loop3A_134 : i32 to index
      %parallel_loop3A_186 = arith.constant 128 : index
      %parallel_loop3A_187 = tpu.vector_load %arg8[%parallel_loop3A_185, %parallel_loop3A_186] {strides = array<i32>} : memref<64x256xf32, #tpu.memory_space<vmem>>, vector<16xf32>,
      %parallel_loop3A_188 = arith.mulf %parallel_loop3A_187, %get3A_22 : vector<16xf32>
      %parallel_loop3A_189 = arith.mulf %parallel_loop3A_187, %parallel_loop3A_187 : vector<16xf32>
      %parallel_loop3A_190 = arith.addf %parallel_loop3A_162, %parallel_loop3A_188 : vector<16xf32>
      %parallel_loop3A_191 = arith.addf %parallel_loop3A_163, %parallel_loop3A_189 : vector<16xf32>
      %parallel_loop3A_192 = arith.index_cast %parallel_loop3A_134 : i32 to index
      %parallel_loop3A_193 = arith.constant 144 : index
      %parallel_loop3A_194 = tpu.vector_load %arg8[%parallel_loop3A_192, %parallel_loop3A_193] {strides = array<i32>} : memref<64x256xf32, #tpu.memory_space<vmem>>, vector<16xf32>,
      %parallel_loop3A_195 = arith.mulf %parallel_loop3A_194, %get3A_24 : vector<16xf32>
      %parallel_loop3A_196 = arith.mulf %parallel_loop3A_194, %parallel_loop3A_194 : vector<16xf32>
      %parallel_loop3A_197 = arith.addf %parallel_loop3A_169, %parallel_loop3A_195 : vector<16xf32>
      %parallel_loop3A_198 = arith.addf %parallel_loop3A_170, %parallel_loop3A_196 : vector<16xf32>
      %parallel_loop3A_199 = arith.index_cast %parallel_loop3A_134 : i32 to index
      %parallel_loop3A_200 = arith.constant 160 : index
      %parallel_loop3A_201 = tpu.vector_load %arg8[%parallel_loop3A_199, %parallel_loop3A_200] {strides = array<i32>} : memref<64x256xf32, #tpu.memory_space<vmem>>, vector<16xf32>,
      %parallel_loop3A_202 = arith.mulf %parallel_loop3A_201, %get3A_26 : vector<16xf32>
      %parallel_loop3A_203 = arith.mulf %parallel_loop3A_201, %parallel_loop3A_201 : vector<16xf32>
      %parallel_loop3A_204 = arith.addf %parallel_loop3A_176, %parallel_loop3A_202 : vector<16xf32>
      %parallel_loop3A_205 = arith.addf %parallel_loop3A_177, %parallel_loop3A_203 : vector<16xf32>
      %parallel_loop3A_206 = arith.index_cast %parallel_loop3A_134 : i32 to index
      %parallel_loop3A_207 = arith.constant 176 : index
      %parallel_loop3A_208 = tpu.vector_load %arg8[%parallel_loop3A_206, %parallel_loop3A_207] {strides = array<i32>} : memref<64x256xf32, #tpu.memory_space<vmem>>, vector<16xf32>,
      %parallel_loop3A_209 = arith.mulf %parallel_loop3A_208, %get3A_28 : vector<16xf32>
      %parallel_loop3A_210 = arith.mulf %parallel_loop3A_208, %parallel_loop3A_208 : vector<16xf32>
      %parallel_loop3A_211 = arith.addf %parallel_loop3A_183, %parallel_loop3A_209 : vector<16xf32>
      %parallel_loop3A_212 = arith.addf %parallel_loop3A_184, %parallel_loop3A_210 : vector<16xf32>
      %parallel_loop3A_213 = arith.index_cast %parallel_loop3A_134 : i32 to index
      %parallel_loop3A_214 = arith.constant 192 : index
      %parallel_loop3A_215 = tpu.vector_load %arg8[%parallel_loop3A_213, %parallel_loop3A_214] {strides = array<i32>} : memref<64x256xf32, #tpu.memory_space<vmem>>, vector<16xf32>,
      %parallel_loop3A_216 = arith.mulf %parallel_loop3A_215, %get3A_30 : vector<16xf32>
      %parallel_loop3A_217 = arith.mulf %parallel_loop3A_215, %parallel_loop3A_215 : vector<16xf32>
      %parallel_loop3A_218 = arith.addf %parallel_loop3A_190, %parallel_loop3A_216 : vector<16xf32>
      %parallel_loop3A_219 = arith.addf %parallel_loop3A_191, %parallel_loop3A_217 : vector<16xf32>
      %parallel_loop3A_220 = arith.index_cast %parallel_loop3A_134 : i32 to index
      %parallel_loop3A_221 = arith.constant 208 : index
      %parallel_loop3A_222 = tpu.vector_load %arg8[%parallel_loop3A_220, %parallel_loop3A_221] {strides = array<i32>} : memref<64x256xf32, #tpu.memory_space<vmem>>, vector<16xf32>,
      %parallel_loop3A_223 = arith.mulf %parallel_loop3A_222, %get3A_32 : vector<16xf32>
      %parallel_loop3A_224 = arith.mulf %parallel_loop3A_222, %parallel_loop3A_222 : vector<16xf32>
      %parallel_loop3A_225 = arith.addf %parallel_loop3A_197, %parallel_loop3A_223 : vector<16xf32>
      %parallel_loop3A_226 = arith.addf %parallel_loop3A_198, %parallel_loop3A_224 : vector<16xf32>
      %parallel_loop3A_227 = arith.index_cast %parallel_loop3A_134 : i32 to index
      %parallel_loop3A_228 = arith.constant 224 : index
      %parallel_loop3A_229 = tpu.vector_load %arg8[%parallel_loop3A_227, %parallel_loop3A_228] {strides = array<i32>} : memref<64x256xf32, #tpu.memory_space<vmem>>, vector<16xf32>,
      %parallel_loop3A_230 = arith.mulf %parallel_loop3A_229, %get3A_34 : vector<16xf32>
      %parallel_loop3A_231 = arith.mulf %parallel_loop3A_229, %parallel_loop3A_229 : vector<16xf32>
      %parallel_loop3A_232 = arith.addf %parallel_loop3A_204, %parallel_loop3A_230 : vector<16xf32>
      %parallel_loop3A_233 = arith.addf %parallel_loop3A_205, %parallel_loop3A_231 : vector<16xf32>
      %parallel_loop3A_234 = arith.index_cast %parallel_loop3A_134 : i32 to index
      %parallel_loop3A_235 = arith.constant 240 : index
      %parallel_loop3A_236 = tpu.vector_load %arg8[%parallel_loop3A_234, %parallel_loop3A_235] {strides = array<i32>} : memref<64x256xf32, #tpu.memory_space<vmem>>, vector<16xf32>,
      %parallel_loop3A_237 = arith.mulf %parallel_loop3A_236, %get3A_36 : vector<16xf32>
      %parallel_loop3A_238 = arith.mulf %parallel_loop3A_236, %parallel_loop3A_236 : vector<16xf32>
      %parallel_loop3A_239 = arith.addf %parallel_loop3A_211, %parallel_loop3A_237 : vector<16xf32>
      %parallel_loop3A_240 = arith.addf %parallel_loop3A_212, %parallel_loop3A_238 : vector<16xf32>
      %parallel_loop3A_241 = arith.addf %parallel_loop3A_218, %parallel_loop3A_225 : vector<16xf32>
      %parallel_loop3A_242 = arith.addf %parallel_loop3A_232, %parallel_loop3A_239 : vector<16xf32>
      %parallel_loop3A_243 = arith.addf %parallel_loop3A_241, %parallel_loop3A_242 : vector<16xf32>
      %parallel_loop3A_244 = arith.constant true
      %parallel_loop3A_245 = vector.broadcast %parallel_loop3A_244 : i1 to vector<16xi1>
      %parallel_loop3A_246 = tpu.scan <sum>, %parallel_loop3A_243 masked %parallel_loop3A_245 : vector<16xf32>, vector<16xi1> -> vector<16xf32>
      %parallel_loop3A_247 = arith.addf %parallel_loop3A_219, %parallel_loop3A_226 : vector<16xf32>
      %parallel_loop3A_248 = arith.addf %parallel_loop3A_233, %parallel_loop3A_240 : vector<16xf32>
      %parallel_loop3A_249 = arith.addf %parallel_loop3A_247, %parallel_loop3A_248 : vector<16xf32>
      %parallel_loop3A_250 = arith.constant true
      %parallel_loop3A_251 = vector.broadcast %parallel_loop3A_250 : i1 to vector<16xi1>
      %parallel_loop3A_252 = tpu.scan <sum>, %parallel_loop3A_249 masked %parallel_loop3A_251 : vector<16xf32>, vector<16xi1> -> vector<16xf32>
      %parallel_loop3A_253 = math.absf %parallel_loop3A_246 : vector<16xf32>
      %parallel_loop3A_254 = arith.mulf %parallel_loop3A_246, %parallel_loop3A_253 : vector<16xf32>
      %parallel_loop3A_255 = arith.mulf %masked_cumsum3A, %parallel_loop3A_252 : vector<16xf32>
      %parallel_loop3A_256 = arith.maximumf %parallel_loop3A_255, %broadcast_in_dim3A_74 : vector<16xf32>
      %parallel_loop3A_257 = arith.divf %parallel_loop3A_254, %parallel_loop3A_256 : vector<16xf32>
      %parallel_loop3A_258 = arith.cmpf ogt, %parallel_loop3A_257, %parallel_loop3A_135 : vector<16xf32>
      %parallel_loop3A_259 = arith.addi %add3A_100, %parallel_loop3A_134 : i32
      %parallel_loop3A_260 = vector.broadcast %parallel_loop3A_259 : i32 to vector<16xi32>
      %parallel_loop3A_261 = arith.addi %broadcast_in_dim3A_72, %parallel_loop3A_260 : vector<16xi32>
      %parallel_loop3A_262 = arith.select %parallel_loop3A_258, %parallel_loop3A_257, %parallel_loop3A_135 : vector<16xi1>, vector<16xf32>
      %parallel_loop3A_263 = arith.select %parallel_loop3A_258, %parallel_loop3A_261, %parallel_loop3A_136 : vector<16xi1>, vector<16xi32>
      scf.yield %parallel_loop3A_262, %parallel_loop3A_263 : vector<16xf32>, vector<16xi32>
    } {sc.loop_unroll_factor = 2 : i64, sc.parallel_access}
    %add3A_105 = arith.constant 192 : i32
    %add3A_106 = arith.addi %mul3A_2, %add3A_105 : i32
    %dma_start3A_107 = arith.constant 0 : i32
    %dma_start3A_108 = tpu.memref_slice %arg3[%add3A_106, %dma_start3A_107] : memref<8192x256xf32, #tpu.memory_space<hbm>> -> memref<64x256xf32, #tpu.memory_space<hbm>>
    %dma_start3A_109 = arith.constant 0 : i32
    %dma_start3A_110 = tpu.memref_slice %arg3[%add3A_106, %dma_start3A_109] : memref<8192x256xf32, #tpu.memory_space<hbm>> -> memref<64x256xf32, #tpu.memory_space<hbm>>
    tpu.enqueue_dma source(%dma_start3A_110 : memref<64x256xf32, #tpu.memory_space<hbm>>) target(%arg8 : memref<64x256xf32, #tpu.memory_space<vmem>>) target_semaphore(%arg12 : memref<!tpu.dma_semaphore, #tpu.memory_space<semaphore_mem>>)
    %dma_wait3A_111 = arith.constant 0 : i32
    %dma_wait3A_112 = tpu.memref_slice %arg3[%add3A_90, %dma_wait3A_111] : memref<8192x256xf32, #tpu.memory_space<hbm>> -> memref<64x256xf32, #tpu.memory_space<hbm>>
    %dma_wait3A_113 = arith.constant 0 : i32
    %dma_wait3A_114 = tpu.memref_slice %arg3[%add3A_90, %dma_wait3A_113] : memref<8192x256xf32, #tpu.memory_space<hbm>> -> memref<64x256xf32, #tpu.memory_space<hbm>>
    tpu.wait_dma2 semaphore(%arg11 : memref<!tpu.dma_semaphore, #tpu.memory_space<semaphore_mem>>) src(%dma_wait3A_114 : memref<64x256xf32, #tpu.memory_space<hbm>>) dst(%arg7 : memref<64x256xf32, #tpu.memory_space<vmem>>)
    %add3A_115 = arith.constant 128 : i32
    %add3A_116 = arith.addi %mul3A_2, %add3A_115 : i32
    %parallel_loop3A_117 = arith.constant 0 : i32
    %parallel_loop3A_118 = arith.constant 64 : i32
    %parallel_loop3A_119 = arith.constant 1 : i32
    %parallel_loop3A_120:2 = scf.for %parallel_loop3A_134 = %parallel_loop3A_117 to %parallel_loop3A_118 step %parallel_loop3A_119 iter_args(%parallel_loop3A_135 = %parallel_loop3A_104#0, %parallel_loop3A_136 = %parallel_loop3A_104#1) -> (vector<16xf32>, vector<16xi32>)  : i32 {
      %parallel_loop3A_137 = arith.index_cast %parallel_loop3A_134 : i32 to index
      %parallel_loop3A_138 = arith.constant 0 : index
      %parallel_loop3A_139 = tpu.vector_load %arg7[%parallel_loop3A_137, %parallel_loop3A_138] {strides = array<i32>} : memref<64x256xf32, #tpu.memory_space<vmem>>, vector<16xf32>,
      %parallel_loop3A_140 = arith.mulf %parallel_loop3A_139, %get3A_6 : vector<16xf32>
      %parallel_loop3A_141 = arith.mulf %parallel_loop3A_139, %parallel_loop3A_139 : vector<16xf32>
      %parallel_loop3A_142 = arith.index_cast %parallel_loop3A_134 : i32 to index
      %parallel_loop3A_143 = arith.constant 16 : index
      %parallel_loop3A_144 = tpu.vector_load %arg7[%parallel_loop3A_142, %parallel_loop3A_143] {strides = array<i32>} : memref<64x256xf32, #tpu.memory_space<vmem>>, vector<16xf32>,
      %parallel_loop3A_145 = arith.mulf %parallel_loop3A_144, %get3A_8 : vector<16xf32>
      %parallel_loop3A_146 = arith.mulf %parallel_loop3A_144, %parallel_loop3A_144 : vector<16xf32>
      %parallel_loop3A_147 = arith.index_cast %parallel_loop3A_134 : i32 to index
      %parallel_loop3A_148 = arith.constant 32 : index
      %parallel_loop3A_149 = tpu.vector_load %arg7[%parallel_loop3A_147, %parallel_loop3A_148] {strides = array<i32>} : memref<64x256xf32, #tpu.memory_space<vmem>>, vector<16xf32>,
      %parallel_loop3A_150 = arith.mulf %parallel_loop3A_149, %get3A_10 : vector<16xf32>
      %parallel_loop3A_151 = arith.mulf %parallel_loop3A_149, %parallel_loop3A_149 : vector<16xf32>
      %parallel_loop3A_152 = arith.index_cast %parallel_loop3A_134 : i32 to index
      %parallel_loop3A_153 = arith.constant 48 : index
      %parallel_loop3A_154 = tpu.vector_load %arg7[%parallel_loop3A_152, %parallel_loop3A_153] {strides = array<i32>} : memref<64x256xf32, #tpu.memory_space<vmem>>, vector<16xf32>,
      %parallel_loop3A_155 = arith.mulf %parallel_loop3A_154, %get3A_12 : vector<16xf32>
      %parallel_loop3A_156 = arith.mulf %parallel_loop3A_154, %parallel_loop3A_154 : vector<16xf32>
      %parallel_loop3A_157 = arith.index_cast %parallel_loop3A_134 : i32 to index
      %parallel_loop3A_158 = arith.constant 64 : index
      %parallel_loop3A_159 = tpu.vector_load %arg7[%parallel_loop3A_157, %parallel_loop3A_158] {strides = array<i32>} : memref<64x256xf32, #tpu.memory_space<vmem>>, vector<16xf32>,
      %parallel_loop3A_160 = arith.mulf %parallel_loop3A_159, %get3A_14 : vector<16xf32>
      %parallel_loop3A_161 = arith.mulf %parallel_loop3A_159, %parallel_loop3A_159 : vector<16xf32>
      %parallel_loop3A_162 = arith.addf %parallel_loop3A_140, %parallel_loop3A_160 : vector<16xf32>
      %parallel_loop3A_163 = arith.addf %parallel_loop3A_141, %parallel_loop3A_161 : vector<16xf32>
      %parallel_loop3A_164 = arith.index_cast %parallel_loop3A_134 : i32 to index
      %parallel_loop3A_165 = arith.constant 80 : index
      %parallel_loop3A_166 = tpu.vector_load %arg7[%parallel_loop3A_164, %parallel_loop3A_165] {strides = array<i32>} : memref<64x256xf32, #tpu.memory_space<vmem>>, vector<16xf32>,
      %parallel_loop3A_167 = arith.mulf %parallel_loop3A_166, %get3A_16 : vector<16xf32>
      %parallel_loop3A_168 = arith.mulf %parallel_loop3A_166, %parallel_loop3A_166 : vector<16xf32>
      %parallel_loop3A_169 = arith.addf %parallel_loop3A_145, %parallel_loop3A_167 : vector<16xf32>
      %parallel_loop3A_170 = arith.addf %parallel_loop3A_146, %parallel_loop3A_168 : vector<16xf32>
      %parallel_loop3A_171 = arith.index_cast %parallel_loop3A_134 : i32 to index
      %parallel_loop3A_172 = arith.constant 96 : index
      %parallel_loop3A_173 = tpu.vector_load %arg7[%parallel_loop3A_171, %parallel_loop3A_172] {strides = array<i32>} : memref<64x256xf32, #tpu.memory_space<vmem>>, vector<16xf32>,
      %parallel_loop3A_174 = arith.mulf %parallel_loop3A_173, %get3A_18 : vector<16xf32>
      %parallel_loop3A_175 = arith.mulf %parallel_loop3A_173, %parallel_loop3A_173 : vector<16xf32>
      %parallel_loop3A_176 = arith.addf %parallel_loop3A_150, %parallel_loop3A_174 : vector<16xf32>
      %parallel_loop3A_177 = arith.addf %parallel_loop3A_151, %parallel_loop3A_175 : vector<16xf32>
      %parallel_loop3A_178 = arith.index_cast %parallel_loop3A_134 : i32 to index
      %parallel_loop3A_179 = arith.constant 112 : index
      %parallel_loop3A_180 = tpu.vector_load %arg7[%parallel_loop3A_178, %parallel_loop3A_179] {strides = array<i32>} : memref<64x256xf32, #tpu.memory_space<vmem>>, vector<16xf32>,
      %parallel_loop3A_181 = arith.mulf %parallel_loop3A_180, %get3A_20 : vector<16xf32>
      %parallel_loop3A_182 = arith.mulf %parallel_loop3A_180, %parallel_loop3A_180 : vector<16xf32>
      %parallel_loop3A_183 = arith.addf %parallel_loop3A_155, %parallel_loop3A_181 : vector<16xf32>
      %parallel_loop3A_184 = arith.addf %parallel_loop3A_156, %parallel_loop3A_182 : vector<16xf32>
      %parallel_loop3A_185 = arith.index_cast %parallel_loop3A_134 : i32 to index
      %parallel_loop3A_186 = arith.constant 128 : index
      %parallel_loop3A_187 = tpu.vector_load %arg7[%parallel_loop3A_185, %parallel_loop3A_186] {strides = array<i32>} : memref<64x256xf32, #tpu.memory_space<vmem>>, vector<16xf32>,
      %parallel_loop3A_188 = arith.mulf %parallel_loop3A_187, %get3A_22 : vector<16xf32>
      %parallel_loop3A_189 = arith.mulf %parallel_loop3A_187, %parallel_loop3A_187 : vector<16xf32>
      %parallel_loop3A_190 = arith.addf %parallel_loop3A_162, %parallel_loop3A_188 : vector<16xf32>
      %parallel_loop3A_191 = arith.addf %parallel_loop3A_163, %parallel_loop3A_189 : vector<16xf32>
      %parallel_loop3A_192 = arith.index_cast %parallel_loop3A_134 : i32 to index
      %parallel_loop3A_193 = arith.constant 144 : index
      %parallel_loop3A_194 = tpu.vector_load %arg7[%parallel_loop3A_192, %parallel_loop3A_193] {strides = array<i32>} : memref<64x256xf32, #tpu.memory_space<vmem>>, vector<16xf32>,
      %parallel_loop3A_195 = arith.mulf %parallel_loop3A_194, %get3A_24 : vector<16xf32>
      %parallel_loop3A_196 = arith.mulf %parallel_loop3A_194, %parallel_loop3A_194 : vector<16xf32>
      %parallel_loop3A_197 = arith.addf %parallel_loop3A_169, %parallel_loop3A_195 : vector<16xf32>
      %parallel_loop3A_198 = arith.addf %parallel_loop3A_170, %parallel_loop3A_196 : vector<16xf32>
      %parallel_loop3A_199 = arith.index_cast %parallel_loop3A_134 : i32 to index
      %parallel_loop3A_200 = arith.constant 160 : index
      %parallel_loop3A_201 = tpu.vector_load %arg7[%parallel_loop3A_199, %parallel_loop3A_200] {strides = array<i32>} : memref<64x256xf32, #tpu.memory_space<vmem>>, vector<16xf32>,
      %parallel_loop3A_202 = arith.mulf %parallel_loop3A_201, %get3A_26 : vector<16xf32>
      %parallel_loop3A_203 = arith.mulf %parallel_loop3A_201, %parallel_loop3A_201 : vector<16xf32>
      %parallel_loop3A_204 = arith.addf %parallel_loop3A_176, %parallel_loop3A_202 : vector<16xf32>
      %parallel_loop3A_205 = arith.addf %parallel_loop3A_177, %parallel_loop3A_203 : vector<16xf32>
      %parallel_loop3A_206 = arith.index_cast %parallel_loop3A_134 : i32 to index
      %parallel_loop3A_207 = arith.constant 176 : index
      %parallel_loop3A_208 = tpu.vector_load %arg7[%parallel_loop3A_206, %parallel_loop3A_207] {strides = array<i32>} : memref<64x256xf32, #tpu.memory_space<vmem>>, vector<16xf32>,
      %parallel_loop3A_209 = arith.mulf %parallel_loop3A_208, %get3A_28 : vector<16xf32>
      %parallel_loop3A_210 = arith.mulf %parallel_loop3A_208, %parallel_loop3A_208 : vector<16xf32>
      %parallel_loop3A_211 = arith.addf %parallel_loop3A_183, %parallel_loop3A_209 : vector<16xf32>
      %parallel_loop3A_212 = arith.addf %parallel_loop3A_184, %parallel_loop3A_210 : vector<16xf32>
      %parallel_loop3A_213 = arith.index_cast %parallel_loop3A_134 : i32 to index
      %parallel_loop3A_214 = arith.constant 192 : index
      %parallel_loop3A_215 = tpu.vector_load %arg7[%parallel_loop3A_213, %parallel_loop3A_214] {strides = array<i32>} : memref<64x256xf32, #tpu.memory_space<vmem>>, vector<16xf32>,
      %parallel_loop3A_216 = arith.mulf %parallel_loop3A_215, %get3A_30 : vector<16xf32>
      %parallel_loop3A_217 = arith.mulf %parallel_loop3A_215, %parallel_loop3A_215 : vector<16xf32>
      %parallel_loop3A_218 = arith.addf %parallel_loop3A_190, %parallel_loop3A_216 : vector<16xf32>
      %parallel_loop3A_219 = arith.addf %parallel_loop3A_191, %parallel_loop3A_217 : vector<16xf32>
      %parallel_loop3A_220 = arith.index_cast %parallel_loop3A_134 : i32 to index
      %parallel_loop3A_221 = arith.constant 208 : index
      %parallel_loop3A_222 = tpu.vector_load %arg7[%parallel_loop3A_220, %parallel_loop3A_221] {strides = array<i32>} : memref<64x256xf32, #tpu.memory_space<vmem>>, vector<16xf32>,
      %parallel_loop3A_223 = arith.mulf %parallel_loop3A_222, %get3A_32 : vector<16xf32>
      %parallel_loop3A_224 = arith.mulf %parallel_loop3A_222, %parallel_loop3A_222 : vector<16xf32>
      %parallel_loop3A_225 = arith.addf %parallel_loop3A_197, %parallel_loop3A_223 : vector<16xf32>
      %parallel_loop3A_226 = arith.addf %parallel_loop3A_198, %parallel_loop3A_224 : vector<16xf32>
      %parallel_loop3A_227 = arith.index_cast %parallel_loop3A_134 : i32 to index
      %parallel_loop3A_228 = arith.constant 224 : index
      %parallel_loop3A_229 = tpu.vector_load %arg7[%parallel_loop3A_227, %parallel_loop3A_228] {strides = array<i32>} : memref<64x256xf32, #tpu.memory_space<vmem>>, vector<16xf32>,
      %parallel_loop3A_230 = arith.mulf %parallel_loop3A_229, %get3A_34 : vector<16xf32>
      %parallel_loop3A_231 = arith.mulf %parallel_loop3A_229, %parallel_loop3A_229 : vector<16xf32>
      %parallel_loop3A_232 = arith.addf %parallel_loop3A_204, %parallel_loop3A_230 : vector<16xf32>
      %parallel_loop3A_233 = arith.addf %parallel_loop3A_205, %parallel_loop3A_231 : vector<16xf32>
      %parallel_loop3A_234 = arith.index_cast %parallel_loop3A_134 : i32 to index
      %parallel_loop3A_235 = arith.constant 240 : index
      %parallel_loop3A_236 = tpu.vector_load %arg7[%parallel_loop3A_234, %parallel_loop3A_235] {strides = array<i32>} : memref<64x256xf32, #tpu.memory_space<vmem>>, vector<16xf32>,
      %parallel_loop3A_237 = arith.mulf %parallel_loop3A_236, %get3A_36 : vector<16xf32>
      %parallel_loop3A_238 = arith.mulf %parallel_loop3A_236, %parallel_loop3A_236 : vector<16xf32>
      %parallel_loop3A_239 = arith.addf %parallel_loop3A_211, %parallel_loop3A_237 : vector<16xf32>
      %parallel_loop3A_240 = arith.addf %parallel_loop3A_212, %parallel_loop3A_238 : vector<16xf32>
      %parallel_loop3A_241 = arith.addf %parallel_loop3A_218, %parallel_loop3A_225 : vector<16xf32>
      %parallel_loop3A_242 = arith.addf %parallel_loop3A_232, %parallel_loop3A_239 : vector<16xf32>
      %parallel_loop3A_243 = arith.addf %parallel_loop3A_241, %parallel_loop3A_242 : vector<16xf32>
      %parallel_loop3A_244 = arith.constant true
      %parallel_loop3A_245 = vector.broadcast %parallel_loop3A_244 : i1 to vector<16xi1>
      %parallel_loop3A_246 = tpu.scan <sum>, %parallel_loop3A_243 masked %parallel_loop3A_245 : vector<16xf32>, vector<16xi1> -> vector<16xf32>
      %parallel_loop3A_247 = arith.addf %parallel_loop3A_219, %parallel_loop3A_226 : vector<16xf32>
      %parallel_loop3A_248 = arith.addf %parallel_loop3A_233, %parallel_loop3A_240 : vector<16xf32>
      %parallel_loop3A_249 = arith.addf %parallel_loop3A_247, %parallel_loop3A_248 : vector<16xf32>
      %parallel_loop3A_250 = arith.constant true
      %parallel_loop3A_251 = vector.broadcast %parallel_loop3A_250 : i1 to vector<16xi1>
      %parallel_loop3A_252 = tpu.scan <sum>, %parallel_loop3A_249 masked %parallel_loop3A_251 : vector<16xf32>, vector<16xi1> -> vector<16xf32>
      %parallel_loop3A_253 = math.absf %parallel_loop3A_246 : vector<16xf32>
      %parallel_loop3A_254 = arith.mulf %parallel_loop3A_246, %parallel_loop3A_253 : vector<16xf32>
      %parallel_loop3A_255 = arith.mulf %masked_cumsum3A, %parallel_loop3A_252 : vector<16xf32>
      %parallel_loop3A_256 = arith.maximumf %parallel_loop3A_255, %broadcast_in_dim3A_74 : vector<16xf32>
      %parallel_loop3A_257 = arith.divf %parallel_loop3A_254, %parallel_loop3A_256 : vector<16xf32>
      %parallel_loop3A_258 = arith.cmpf ogt, %parallel_loop3A_257, %parallel_loop3A_135 : vector<16xf32>
      %parallel_loop3A_259 = arith.addi %add3A_116, %parallel_loop3A_134 : i32
      %parallel_loop3A_260 = vector.broadcast %parallel_loop3A_259 : i32 to vector<16xi32>
      %parallel_loop3A_261 = arith.addi %broadcast_in_dim3A_72, %parallel_loop3A_260 : vector<16xi32>
      %parallel_loop3A_262 = arith.select %parallel_loop3A_258, %parallel_loop3A_257, %parallel_loop3A_135 : vector<16xi1>, vector<16xf32>
      %parallel_loop3A_263 = arith.select %parallel_loop3A_258, %parallel_loop3A_261, %parallel_loop3A_136 : vector<16xi1>, vector<16xi32>
      scf.yield %parallel_loop3A_262, %parallel_loop3A_263 : vector<16xf32>, vector<16xi32>
    } {sc.loop_unroll_factor = 2 : i64, sc.parallel_access}
    %dma_wait3A_121 = arith.constant 0 : i32
    %dma_wait3A_122 = tpu.memref_slice %arg3[%add3A_106, %dma_wait3A_121] : memref<8192x256xf32, #tpu.memory_space<hbm>> -> memref<64x256xf32, #tpu.memory_space<hbm>>
    %dma_wait3A_123 = arith.constant 0 : i32
    %dma_wait3A_124 = tpu.memref_slice %arg3[%add3A_106, %dma_wait3A_123] : memref<8192x256xf32, #tpu.memory_space<hbm>> -> memref<64x256xf32, #tpu.memory_space<hbm>>
    tpu.wait_dma2 semaphore(%arg12 : memref<!tpu.dma_semaphore, #tpu.memory_space<semaphore_mem>>) src(%dma_wait3A_124 : memref<64x256xf32, #tpu.memory_space<hbm>>) dst(%arg8 : memref<64x256xf32, #tpu.memory_space<vmem>>)
    %add3A_125 = arith.constant 192 : i32
    %add3A_126 = arith.addi %mul3A_2, %add3A_125 : i32
    %parallel_loop3A_127 = arith.constant 0 : i32
    %parallel_loop3A_128 = arith.constant 64 : i32
    %parallel_loop3A_129 = arith.constant 1 : i32
    %parallel_loop3A_130:2 = scf.for %parallel_loop3A_134 = %parallel_loop3A_127 to %parallel_loop3A_128 step %parallel_loop3A_129 iter_args(%parallel_loop3A_135 = %parallel_loop3A_120#0, %parallel_loop3A_136 = %parallel_loop3A_120#1) -> (vector<16xf32>, vector<16xi32>)  : i32 {
      %parallel_loop3A_137 = arith.index_cast %parallel_loop3A_134 : i32 to index
      %parallel_loop3A_138 = arith.constant 0 : index
      %parallel_loop3A_139 = tpu.vector_load %arg8[%parallel_loop3A_137, %parallel_loop3A_138] {strides = array<i32>} : memref<64x256xf32, #tpu.memory_space<vmem>>, vector<16xf32>,
      %parallel_loop3A_140 = arith.mulf %parallel_loop3A_139, %get3A_6 : vector<16xf32>
      %parallel_loop3A_141 = arith.mulf %parallel_loop3A_139, %parallel_loop3A_139 : vector<16xf32>
      %parallel_loop3A_142 = arith.index_cast %parallel_loop3A_134 : i32 to index
      %parallel_loop3A_143 = arith.constant 16 : index
      %parallel_loop3A_144 = tpu.vector_load %arg8[%parallel_loop3A_142, %parallel_loop3A_143] {strides = array<i32>} : memref<64x256xf32, #tpu.memory_space<vmem>>, vector<16xf32>,
      %parallel_loop3A_145 = arith.mulf %parallel_loop3A_144, %get3A_8 : vector<16xf32>
      %parallel_loop3A_146 = arith.mulf %parallel_loop3A_144, %parallel_loop3A_144 : vector<16xf32>
      %parallel_loop3A_147 = arith.index_cast %parallel_loop3A_134 : i32 to index
      %parallel_loop3A_148 = arith.constant 32 : index
      %parallel_loop3A_149 = tpu.vector_load %arg8[%parallel_loop3A_147, %parallel_loop3A_148] {strides = array<i32>} : memref<64x256xf32, #tpu.memory_space<vmem>>, vector<16xf32>,
      %parallel_loop3A_150 = arith.mulf %parallel_loop3A_149, %get3A_10 : vector<16xf32>
      %parallel_loop3A_151 = arith.mulf %parallel_loop3A_149, %parallel_loop3A_149 : vector<16xf32>
      %parallel_loop3A_152 = arith.index_cast %parallel_loop3A_134 : i32 to index
      %parallel_loop3A_153 = arith.constant 48 : index
      %parallel_loop3A_154 = tpu.vector_load %arg8[%parallel_loop3A_152, %parallel_loop3A_153] {strides = array<i32>} : memref<64x256xf32, #tpu.memory_space<vmem>>, vector<16xf32>,
      %parallel_loop3A_155 = arith.mulf %parallel_loop3A_154, %get3A_12 : vector<16xf32>
      %parallel_loop3A_156 = arith.mulf %parallel_loop3A_154, %parallel_loop3A_154 : vector<16xf32>
      %parallel_loop3A_157 = arith.index_cast %parallel_loop3A_134 : i32 to index
      %parallel_loop3A_158 = arith.constant 64 : index
      %parallel_loop3A_159 = tpu.vector_load %arg8[%parallel_loop3A_157, %parallel_loop3A_158] {strides = array<i32>} : memref<64x256xf32, #tpu.memory_space<vmem>>, vector<16xf32>,
      %parallel_loop3A_160 = arith.mulf %parallel_loop3A_159, %get3A_14 : vector<16xf32>
      %parallel_loop3A_161 = arith.mulf %parallel_loop3A_159, %parallel_loop3A_159 : vector<16xf32>
      %parallel_loop3A_162 = arith.addf %parallel_loop3A_140, %parallel_loop3A_160 : vector<16xf32>
      %parallel_loop3A_163 = arith.addf %parallel_loop3A_141, %parallel_loop3A_161 : vector<16xf32>
      %parallel_loop3A_164 = arith.index_cast %parallel_loop3A_134 : i32 to index
      %parallel_loop3A_165 = arith.constant 80 : index
      %parallel_loop3A_166 = tpu.vector_load %arg8[%parallel_loop3A_164, %parallel_loop3A_165] {strides = array<i32>} : memref<64x256xf32, #tpu.memory_space<vmem>>, vector<16xf32>,
      %parallel_loop3A_167 = arith.mulf %parallel_loop3A_166, %get3A_16 : vector<16xf32>
      %parallel_loop3A_168 = arith.mulf %parallel_loop3A_166, %parallel_loop3A_166 : vector<16xf32>
      %parallel_loop3A_169 = arith.addf %parallel_loop3A_145, %parallel_loop3A_167 : vector<16xf32>
      %parallel_loop3A_170 = arith.addf %parallel_loop3A_146, %parallel_loop3A_168 : vector<16xf32>
      %parallel_loop3A_171 = arith.index_cast %parallel_loop3A_134 : i32 to index
      %parallel_loop3A_172 = arith.constant 96 : index
      %parallel_loop3A_173 = tpu.vector_load %arg8[%parallel_loop3A_171, %parallel_loop3A_172] {strides = array<i32>} : memref<64x256xf32, #tpu.memory_space<vmem>>, vector<16xf32>,
      %parallel_loop3A_174 = arith.mulf %parallel_loop3A_173, %get3A_18 : vector<16xf32>
      %parallel_loop3A_175 = arith.mulf %parallel_loop3A_173, %parallel_loop3A_173 : vector<16xf32>
      %parallel_loop3A_176 = arith.addf %parallel_loop3A_150, %parallel_loop3A_174 : vector<16xf32>
      %parallel_loop3A_177 = arith.addf %parallel_loop3A_151, %parallel_loop3A_175 : vector<16xf32>
      %parallel_loop3A_178 = arith.index_cast %parallel_loop3A_134 : i32 to index
      %parallel_loop3A_179 = arith.constant 112 : index
      %parallel_loop3A_180 = tpu.vector_load %arg8[%parallel_loop3A_178, %parallel_loop3A_179] {strides = array<i32>} : memref<64x256xf32, #tpu.memory_space<vmem>>, vector<16xf32>,
      %parallel_loop3A_181 = arith.mulf %parallel_loop3A_180, %get3A_20 : vector<16xf32>
      %parallel_loop3A_182 = arith.mulf %parallel_loop3A_180, %parallel_loop3A_180 : vector<16xf32>
      %parallel_loop3A_183 = arith.addf %parallel_loop3A_155, %parallel_loop3A_181 : vector<16xf32>
      %parallel_loop3A_184 = arith.addf %parallel_loop3A_156, %parallel_loop3A_182 : vector<16xf32>
      %parallel_loop3A_185 = arith.index_cast %parallel_loop3A_134 : i32 to index
      %parallel_loop3A_186 = arith.constant 128 : index
      %parallel_loop3A_187 = tpu.vector_load %arg8[%parallel_loop3A_185, %parallel_loop3A_186] {strides = array<i32>} : memref<64x256xf32, #tpu.memory_space<vmem>>, vector<16xf32>,
      %parallel_loop3A_188 = arith.mulf %parallel_loop3A_187, %get3A_22 : vector<16xf32>
      %parallel_loop3A_189 = arith.mulf %parallel_loop3A_187, %parallel_loop3A_187 : vector<16xf32>
      %parallel_loop3A_190 = arith.addf %parallel_loop3A_162, %parallel_loop3A_188 : vector<16xf32>
      %parallel_loop3A_191 = arith.addf %parallel_loop3A_163, %parallel_loop3A_189 : vector<16xf32>
      %parallel_loop3A_192 = arith.index_cast %parallel_loop3A_134 : i32 to index
      %parallel_loop3A_193 = arith.constant 144 : index
      %parallel_loop3A_194 = tpu.vector_load %arg8[%parallel_loop3A_192, %parallel_loop3A_193] {strides = array<i32>} : memref<64x256xf32, #tpu.memory_space<vmem>>, vector<16xf32>,
      %parallel_loop3A_195 = arith.mulf %parallel_loop3A_194, %get3A_24 : vector<16xf32>
      %parallel_loop3A_196 = arith.mulf %parallel_loop3A_194, %parallel_loop3A_194 : vector<16xf32>
      %parallel_loop3A_197 = arith.addf %parallel_loop3A_169, %parallel_loop3A_195 : vector<16xf32>
      %parallel_loop3A_198 = arith.addf %parallel_loop3A_170, %parallel_loop3A_196 : vector<16xf32>
      %parallel_loop3A_199 = arith.index_cast %parallel_loop3A_134 : i32 to index
      %parallel_loop3A_200 = arith.constant 160 : index
      %parallel_loop3A_201 = tpu.vector_load %arg8[%parallel_loop3A_199, %parallel_loop3A_200] {strides = array<i32>} : memref<64x256xf32, #tpu.memory_space<vmem>>, vector<16xf32>,
      %parallel_loop3A_202 = arith.mulf %parallel_loop3A_201, %get3A_26 : vector<16xf32>
      %parallel_loop3A_203 = arith.mulf %parallel_loop3A_201, %parallel_loop3A_201 : vector<16xf32>
      %parallel_loop3A_204 = arith.addf %parallel_loop3A_176, %parallel_loop3A_202 : vector<16xf32>
      %parallel_loop3A_205 = arith.addf %parallel_loop3A_177, %parallel_loop3A_203 : vector<16xf32>
      %parallel_loop3A_206 = arith.index_cast %parallel_loop3A_134 : i32 to index
      %parallel_loop3A_207 = arith.constant 176 : index
      %parallel_loop3A_208 = tpu.vector_load %arg8[%parallel_loop3A_206, %parallel_loop3A_207] {strides = array<i32>} : memref<64x256xf32, #tpu.memory_space<vmem>>, vector<16xf32>,
      %parallel_loop3A_209 = arith.mulf %parallel_loop3A_208, %get3A_28 : vector<16xf32>
      %parallel_loop3A_210 = arith.mulf %parallel_loop3A_208, %parallel_loop3A_208 : vector<16xf32>
      %parallel_loop3A_211 = arith.addf %parallel_loop3A_183, %parallel_loop3A_209 : vector<16xf32>
      %parallel_loop3A_212 = arith.addf %parallel_loop3A_184, %parallel_loop3A_210 : vector<16xf32>
      %parallel_loop3A_213 = arith.index_cast %parallel_loop3A_134 : i32 to index
      %parallel_loop3A_214 = arith.constant 192 : index
      %parallel_loop3A_215 = tpu.vector_load %arg8[%parallel_loop3A_213, %parallel_loop3A_214] {strides = array<i32>} : memref<64x256xf32, #tpu.memory_space<vmem>>, vector<16xf32>,
      %parallel_loop3A_216 = arith.mulf %parallel_loop3A_215, %get3A_30 : vector<16xf32>
      %parallel_loop3A_217 = arith.mulf %parallel_loop3A_215, %parallel_loop3A_215 : vector<16xf32>
      %parallel_loop3A_218 = arith.addf %parallel_loop3A_190, %parallel_loop3A_216 : vector<16xf32>
      %parallel_loop3A_219 = arith.addf %parallel_loop3A_191, %parallel_loop3A_217 : vector<16xf32>
      %parallel_loop3A_220 = arith.index_cast %parallel_loop3A_134 : i32 to index
      %parallel_loop3A_221 = arith.constant 208 : index
      %parallel_loop3A_222 = tpu.vector_load %arg8[%parallel_loop3A_220, %parallel_loop3A_221] {strides = array<i32>} : memref<64x256xf32, #tpu.memory_space<vmem>>, vector<16xf32>,
      %parallel_loop3A_223 = arith.mulf %parallel_loop3A_222, %get3A_32 : vector<16xf32>
      %parallel_loop3A_224 = arith.mulf %parallel_loop3A_222, %parallel_loop3A_222 : vector<16xf32>
      %parallel_loop3A_225 = arith.addf %parallel_loop3A_197, %parallel_loop3A_223 : vector<16xf32>
      %parallel_loop3A_226 = arith.addf %parallel_loop3A_198, %parallel_loop3A_224 : vector<16xf32>
      %parallel_loop3A_227 = arith.index_cast %parallel_loop3A_134 : i32 to index
      %parallel_loop3A_228 = arith.constant 224 : index
      %parallel_loop3A_229 = tpu.vector_load %arg8[%parallel_loop3A_227, %parallel_loop3A_228] {strides = array<i32>} : memref<64x256xf32, #tpu.memory_space<vmem>>, vector<16xf32>,
      %parallel_loop3A_230 = arith.mulf %parallel_loop3A_229, %get3A_34 : vector<16xf32>
      %parallel_loop3A_231 = arith.mulf %parallel_loop3A_229, %parallel_loop3A_229 : vector<16xf32>
      %parallel_loop3A_232 = arith.addf %parallel_loop3A_204, %parallel_loop3A_230 : vector<16xf32>
      %parallel_loop3A_233 = arith.addf %parallel_loop3A_205, %parallel_loop3A_231 : vector<16xf32>
      %parallel_loop3A_234 = arith.index_cast %parallel_loop3A_134 : i32 to index
      %parallel_loop3A_235 = arith.constant 240 : index
      %parallel_loop3A_236 = tpu.vector_load %arg8[%parallel_loop3A_234, %parallel_loop3A_235] {strides = array<i32>} : memref<64x256xf32, #tpu.memory_space<vmem>>, vector<16xf32>,
      %parallel_loop3A_237 = arith.mulf %parallel_loop3A_236, %get3A_36 : vector<16xf32>
      %parallel_loop3A_238 = arith.mulf %parallel_loop3A_236, %parallel_loop3A_236 : vector<16xf32>
      %parallel_loop3A_239 = arith.addf %parallel_loop3A_211, %parallel_loop3A_237 : vector<16xf32>
      %parallel_loop3A_240 = arith.addf %parallel_loop3A_212, %parallel_loop3A_238 : vector<16xf32>
      %parallel_loop3A_241 = arith.addf %parallel_loop3A_218, %parallel_loop3A_225 : vector<16xf32>
      %parallel_loop3A_242 = arith.addf %parallel_loop3A_232, %parallel_loop3A_239 : vector<16xf32>
      %parallel_loop3A_243 = arith.addf %parallel_loop3A_241, %parallel_loop3A_242 : vector<16xf32>
      %parallel_loop3A_244 = arith.constant true
      %parallel_loop3A_245 = vector.broadcast %parallel_loop3A_244 : i1 to vector<16xi1>
      %parallel_loop3A_246 = tpu.scan <sum>, %parallel_loop3A_243 masked %parallel_loop3A_245 : vector<16xf32>, vector<16xi1> -> vector<16xf32>
      %parallel_loop3A_247 = arith.addf %parallel_loop3A_219, %parallel_loop3A_226 : vector<16xf32>
      %parallel_loop3A_248 = arith.addf %parallel_loop3A_233, %parallel_loop3A_240 : vector<16xf32>
      %parallel_loop3A_249 = arith.addf %parallel_loop3A_247, %parallel_loop3A_248 : vector<16xf32>
      %parallel_loop3A_250 = arith.constant true
      %parallel_loop3A_251 = vector.broadcast %parallel_loop3A_250 : i1 to vector<16xi1>
      %parallel_loop3A_252 = tpu.scan <sum>, %parallel_loop3A_249 masked %parallel_loop3A_251 : vector<16xf32>, vector<16xi1> -> vector<16xf32>
      %parallel_loop3A_253 = math.absf %parallel_loop3A_246 : vector<16xf32>
      %parallel_loop3A_254 = arith.mulf %parallel_loop3A_246, %parallel_loop3A_253 : vector<16xf32>
      %parallel_loop3A_255 = arith.mulf %masked_cumsum3A, %parallel_loop3A_252 : vector<16xf32>
      %parallel_loop3A_256 = arith.maximumf %parallel_loop3A_255, %broadcast_in_dim3A_74 : vector<16xf32>
      %parallel_loop3A_257 = arith.divf %parallel_loop3A_254, %parallel_loop3A_256 : vector<16xf32>
      %parallel_loop3A_258 = arith.cmpf ogt, %parallel_loop3A_257, %parallel_loop3A_135 : vector<16xf32>
      %parallel_loop3A_259 = arith.addi %add3A_126, %parallel_loop3A_134 : i32
      %parallel_loop3A_260 = vector.broadcast %parallel_loop3A_259 : i32 to vector<16xi32>
      %parallel_loop3A_261 = arith.addi %broadcast_in_dim3A_72, %parallel_loop3A_260 : vector<16xi32>
      %parallel_loop3A_262 = arith.select %parallel_loop3A_258, %parallel_loop3A_257, %parallel_loop3A_135 : vector<16xi1>, vector<16xf32>
      %parallel_loop3A_263 = arith.select %parallel_loop3A_258, %parallel_loop3A_261, %parallel_loop3A_136 : vector<16xi1>, vector<16xi32>
      scf.yield %parallel_loop3A_262, %parallel_loop3A_263 : vector<16xf32>, vector<16xi32>
    } {sc.loop_unroll_factor = 2 : i64, sc.parallel_access}
    %swap3A = arith.constant 0 : index
    %swap3A_131 = tpu.vector_load %arg9[%swap3A] {strides = array<i32>} : memref<16xf32, #tpu.memory_space<vmem>>, vector<16xf32>,
    tpu.vector_store %arg9[%swap3A], %parallel_loop3A_130#0 {strides = array<i32>} : memref<16xf32, #tpu.memory_space<vmem>>, vector<16xf32>,
    %swap3A_132 = arith.constant 0 : index
    %swap3A_133 = tpu.vector_load %arg10[%swap3A_132] {strides = array<i32>} : memref<16xi32, #tpu.memory_space<vmem>>, vector<16xi32>,
    tpu.vector_store %arg10[%swap3A_132], %parallel_loop3A_130#1 {strides = array<i32>} : memref<16xi32, #tpu.memory_space<vmem>>, vector<16xi32>,
    "tpu.region"() ({
      %run_scoped3A = tpu.sem_alloc : memref<!tpu.dma_semaphore, #tpu.memory_space<semaphore_mem>>
      %dma_start3A_134 = arith.constant 0 : i32
      %dma_start3A_135 = tpu.memref_slice %arg4[%add3A, %dma_start3A_134] : memref<32x16xf32, #tpu.memory_space<hbm>> -> memref<1x16xf32, #tpu.memory_space<hbm>>
      %dma_start3A_136 = tpu.memref_squeeze %dma_start3A_135 : memref<1x16xf32, #tpu.memory_space<hbm>> -> memref<16xf32, #tpu.memory_space<hbm>>
      %dma_start3A_137 = arith.constant 0 : i32
      %dma_start3A_138 = tpu.memref_slice %arg4[%add3A, %dma_start3A_137] : memref<32x16xf32, #tpu.memory_space<hbm>> -> memref<1x16xf32, #tpu.memory_space<hbm>>
      %dma_start3A_139 = tpu.memref_squeeze %dma_start3A_138 : memref<1x16xf32, #tpu.memory_space<hbm>> -> memref<16xf32, #tpu.memory_space<hbm>>
      tpu.enqueue_dma source(%arg9 : memref<16xf32, #tpu.memory_space<vmem>>) target(%dma_start3A_139 : memref<16xf32, #tpu.memory_space<hbm>>) target_semaphore(%run_scoped3A : memref<!tpu.dma_semaphore, #tpu.memory_space<semaphore_mem>>)
      %dma_wait3A_140 = arith.constant 0 : i32
      %dma_wait3A_141 = tpu.memref_slice %arg4[%add3A, %dma_wait3A_140] : memref<32x16xf32, #tpu.memory_space<hbm>> -> memref<1x16xf32, #tpu.memory_space<hbm>>
      %dma_wait3A_142 = tpu.memref_squeeze %dma_wait3A_141 : memref<1x16xf32, #tpu.memory_space<hbm>> -> memref<16xf32, #tpu.memory_space<hbm>>
      %dma_wait3A_143 = arith.constant 0 : i32
      %dma_wait3A_144 = tpu.memref_slice %arg4[%add3A, %dma_wait3A_143] : memref<32x16xf32, #tpu.memory_space<hbm>> -> memref<1x16xf32, #tpu.memory_space<hbm>>
      %dma_wait3A_145 = tpu.memref_squeeze %dma_wait3A_144 : memref<1x16xf32, #tpu.memory_space<hbm>> -> memref<16xf32, #tpu.memory_space<hbm>>
      tpu.wait_dma2 semaphore(%run_scoped3A : memref<!tpu.dma_semaphore, #tpu.memory_space<semaphore_mem>>) src(%arg9 : memref<16xf32, #tpu.memory_space<vmem>>) dst(%dma_wait3A_145 : memref<16xf32, #tpu.memory_space<hbm>>)
      tpu.yield
    }) : () -> ()
    "tpu.region"() ({
      %run_scoped3A = tpu.sem_alloc : memref<!tpu.dma_semaphore, #tpu.memory_space<semaphore_mem>>
      %dma_start3A_134 = arith.constant 0 : i32
      %dma_start3A_135 = tpu.memref_slice %arg5[%add3A, %dma_start3A_134] : memref<32x16xi32, #tpu.memory_space<hbm>> -> memref<1x16xi32, #tpu.memory_space<hbm>>
      %dma_start3A_136 = tpu.memref_squeeze %dma_start3A_135 : memref<1x16xi32, #tpu.memory_space<hbm>> -> memref<16xi32, #tpu.memory_space<hbm>>
      %dma_start3A_137 = arith.constant 0 : i32
      %dma_start3A_138 = tpu.memref_slice %arg5[%add3A, %dma_start3A_137] : memref<32x16xi32, #tpu.memory_space<hbm>> -> memref<1x16xi32, #tpu.memory_space<hbm>>
      %dma_start3A_139 = tpu.memref_squeeze %dma_start3A_138 : memref<1x16xi32, #tpu.memory_space<hbm>> -> memref<16xi32, #tpu.memory_space<hbm>>
      tpu.enqueue_dma source(%arg10 : memref<16xi32, #tpu.memory_space<vmem>>) target(%dma_start3A_139 : memref<16xi32, #tpu.memory_space<hbm>>) target_semaphore(%run_scoped3A : memref<!tpu.dma_semaphore, #tpu.memory_space<semaphore_mem>>)
      %dma_wait3A_140 = arith.constant 0 : i32
      %dma_wait3A_141 = tpu.memref_slice %arg5[%add3A, %dma_wait3A_140] : memref<32x16xi32, #tpu.memory_space<hbm>> -> memref<1x16xi32, #tpu.memory_space<hbm>>
      %dma_wait3A_142 = tpu.memref_squeeze %dma_wait3A_141 : memref<1x16xi32, #tpu.memory_space<hbm>> -> memref<16xi32, #tpu.memory_space<hbm>>
      %dma_wait3A_143 = arith.constant 0 : i32
      %dma_wait3A_144 = tpu.memref_slice %arg5[%add3A, %dma_wait3A_143] : memref<32x16xi32, #tpu.memory_space<hbm>> -> memref<1x16xi32, #tpu.memory_space<hbm>>
      %dma_wait3A_145 = tpu.memref_squeeze %dma_wait3A_144 : memref<1x16xi32, #tpu.memory_space<hbm>> -> memref<16xi32, #tpu.memory_space<hbm>>
      tpu.wait_dma2 semaphore(%run_scoped3A : memref<!tpu.dma_semaphore, #tpu.memory_space<semaphore_mem>>) src(%arg10 : memref<16xi32, #tpu.memory_space<vmem>>) dst(%dma_wait3A_145 : memref<16xi32, #tpu.memory_space<hbm>>)
      tpu.yield
    }) : () -> ()
    return
  }
}

</mosaic_0001>

<sc_bundles>
// kernel: kernel.3.cloned.1.call-start
scs
__scs_entry_jumppad:
0x0: {  	(pc) =	sbr.rel $0x88, $3  }
0x1: {  	(tag) =	ssettag $0x0;
	lr =	simm.s32 $0x1  }
0x2: {  	[smem:$0x3F9F] =	sst lr;
	_ =	strace $0xD0000000  }
0x3: {  	_ = 	snop  }
0x4: {  	_ = 	snop  }
0x5: {  	_ = 	snop  }
0x6: {  	_ = 	snop  }
0x7: {  	_ = 	snop  }
__scs_overlays_trampoline_lowered:
0x8: {  	[smem:$0x3FAE] =	sst s0  }
0x9: {  	[smem:$0x3FAF] =	sst s1  }
0xa: {  	[smem:$0x3FB0] =	sst s2  }
0xb: {  	[smem:$0x3FB1] =	sst s3  }
0xc: {  	[smem:$0x3FB2] =	sst s4  }
0xd: {  	[smem:$0x3FB3] =	sst s5  }
0xe: {  	[smem:$0x3FB4] =	sst s6  }
0xf: {  	[smem:$0x3FB5] =	sst s7  }
0x10: {  	[smem:$0x3FB6] =	sst s8  }
0x11: {  	[smem:$0x3FB7] =	sst s9;
	s0 =	simm.s32 @!p0 $0x0  }
0x12: {  	s1 =	sld [smem:$0x3F9D];
	s0 =	simm.s32 @p0 $0x1  }
0x13: {  	[smem:$0x3FB8] =	sst s0;
	s0 =	simm.s32 @!p1 $0x0  }
0x14: {  	s2 =	sld [smem:$0x3F9C];
	s0 =	simm.s32 @p1 $0x1  }
0x15: {  	[smem:$0x3FB9] =	sst s0;
	s0 =	simm.s32 @!p2 $0x0  }
0x16: {  	s3 =	sld [smem:$0x3FDB];
	s0 =	simm.s32 @p2 $0x1  }
0x17: {  	s4 =	simm.s32 $0x1BF5;
	[smem:$0x3FBB] =	sst s0  }
0x18: {  	s0 =	sld [smem:$0x3F9E];
	_ =	swait.ge [sflag:s4], $0x0  }
0x19: {  	s7 =	sld [smem:$0x3F9F]  }
0x1a: {  	s8 =	sadd.s32 $0xFFFFE003, lr  }
0x1b: {  	s9 =	sadd.s32 $0xFFFFFEF7, lr;
	s5 =	simm.s32 $0xFFFFFFFF;
	p2 =	slt.u32 s8, $0xFFFFF086  }
0x1c: {  	p1 =	slt.u32 s9, $0xF7A;
	s5 =	simm.s32 @!p2 $0x0  }
0x1d: {  	s5 =	simm.s32 @p1 $0x1;
	p0 =	seq.s32 s7, s2  }
0x1e: {  	s7 =	smul.u32 @!p0 $0xF7A, s2;
	p2 =	seq.s32 @!p0 s5, $0x0  }
0x1f: {  	s9 =	smul.u32 $0xF7A, s1;
	s8 =	simm.s32 @!p0 $0x1BF5;
	p2 =	por !p2, p0  }
0x20: {  	[sflag:s8] =	ssyncset.s32 @!p0 $0xFFFFF086;
	s6 =	sadd.s32 @!p0 s3, s7;
	s7 =	simm.s32 @!p0 $0x108  }
0x21: {  	s3 =	sadd.s32 s3, s9;
	s6 =	sadd.s32 @!p0 $0x88, s6;
	s7 =	simm.s32 @p2 $0x1082  }
0x22: {  	[simem:s7], [sflag:s8] =	dma.local @!p0 [hbm:s6], $0xF7A  }
0x23: {  	s9 =	sor.u32 $0xD0000000, s2;
	s6 =	simm.s32 $0x108;
	_ =	swait.ge @!p0 [sflag:s8], $0x0  }
0x24: {  	s3 =	sadd.s32 $0x88, s3;
	s6 =	simm.s32 @!p1 $0x1082;
	[sflag:s4] =	ssyncset.s32 $0xFFFFF086  }
0x25: {  	[simem:s6], [sflag:s4] =	dma.local [hbm:s3], $0xF7A  }
0x26: {  	[smem:$0x3F9F] =	sst s1;
	(tag) =	ssettag s2;
	_ =	strace s9  }
0x27: {  	s1 =	sld [smem:$0x3FAF]  }
0x28: {  	s2 =	sld [smem:$0x3FB0]  }
0x29: {  	s4 =	sld [smem:$0x3FB2]  }
0x2a: {  	p0 =	seq.s32 s5, $0x0;
	s5 =	sld [smem:$0x3FB3]  }
0x2b: {  	s6 =	sld [smem:$0x3FB4]  }
0x2c: {  	s7 =	sld [smem:$0x3FB5]  }
0x2d: {  	s3 =	simm.s32 $0x108;
	s8 =	sld [smem:$0x3FB6]  }
0x2e: {  	s3 =	simm.s32 @!p0 $0x1082;
	s9 =	sld [smem:$0x3FB7]  }
0x2f: {  	lr =	sadd.s32 s0, s3;
	s0 =	sld [smem:$0x3FAE]  }
0x30: {  	s3 =	sld [smem:$0x3FB1]  }
0x31: {  	[smem:$0x3FBA] =	sst s10  }
0x32: {  	s10 =	sld [smem:$0x3FB8];
	_ =	sdelay $0x3  }
0x33: {  	p0 =	seq.s32 s10, $0x1;
	s10 =	sld [smem:$0x3FBA];
	_ =	sdelay $0x3  }
0x34: {  	[smem:$0x3FBA] =	sst s10  }
0x35: {  	s10 =	sld [smem:$0x3FB9];
	_ =	sdelay $0x3  }
0x36: {  	p1 =	seq.s32 s10, $0x1;
	s10 =	sld [smem:$0x3FBA];
	_ =	sdelay $0x3  }
0x37: {  	[smem:$0x3FBA] =	sst s10  }
0x38: {  	s10 =	sld [smem:$0x3FBB]  }
0x39: {  	_ = 	snop;
	(pc) =	sbr.ind lr, $3  }
0x3a: {  	_ = 	snop  }
0x3b: {  	_ = 	snop  }
0x3c: {  	p2 =	seq.s32 s10, $0x1;
	s10 =	sld [smem:$0x3FBA]  }
0x3d: {  	_ =	shalt  }
0x3e: {  	_ =	shalt  }
0x3f: {  	_ =	shalt  }
0x40: {  	_ =	shalt  }
0x41: {  	_ =	shalt  }
0x42: {  	_ =	shalt  }
0x43: {  	_ =	shalt  }
0x44: {  	_ =	shalt  }
0x45: {  	_ =	shalt  }
0x46: {  	_ =	shalt  }
0x47: {  	_ =	shalt  }
0x48: {  	_ =	shalt  }
0x49: {  	_ =	shalt  }
0x4a: {  	_ =	shalt  }
0x4b: {  	_ =	shalt  }
0x4c: {  	_ =	shalt  }
0x4d: {  	_ =	shalt  }
0x4e: {  	_ =	shalt  }
0x4f: {  	_ =	shalt  }
0x50: {  	_ =	shalt  }
0x51: {  	_ =	shalt  }
0x52: {  	_ =	shalt  }
0x53: {  	_ =	shalt  }
0x54: {  	_ =	shalt  }
0x55: {  	_ =	shalt  }
0x56: {  	_ =	shalt  }
0x57: {  	_ =	shalt  }
0x58: {  	_ =	shalt  }
0x59: {  	_ =	shalt  }
0x5a: {  	_ =	shalt  }
0x5b: {  	_ =	shalt  }
0x5c: {  	_ =	shalt  }
0x5d: {  	_ =	shalt  }
0x5e: {  	_ =	shalt  }
0x5f: {  	_ =	shalt  }
0x60: {  	_ =	shalt  }
0x61: {  	_ =	shalt  }
0x62: {  	_ =	shalt  }
0x63: {  	_ =	shalt  }
0x64: {  	_ =	shalt  }
0x65: {  	_ =	shalt  }
0x66: {  	_ =	shalt  }
0x67: {  	_ =	shalt  }
0x68: {  	_ =	shalt  }
0x69: {  	_ =	shalt  }
0x6a: {  	_ =	shalt  }
0x6b: {  	_ =	shalt  }
0x6c: {  	_ =	shalt  }
0x6d: {  	_ =	shalt  }
0x6e: {  	_ =	shalt  }
0x6f: {  	_ =	shalt  }
0x70: {  	_ =	shalt  }
0x71: {  	_ =	shalt  }
0x72: {  	_ =	shalt  }
0x73: {  	_ =	shalt  }
0x74: {  	_ =	shalt  }
0x75: {  	_ =	shalt  }
0x76: {  	_ =	shalt  }
0x77: {  	_ =	shalt  }
0x78: {  	_ =	shalt  }
0x79: {  	_ =	shalt  }
0x7a: {  	_ =	shalt  }
0x7b: {  	_ =	shalt  }
0x7c: {  	_ =	shalt  }
0x7d: {  	_ =	shalt  }
0x7e: {  	_ =	shalt  }
0x7f: {  	_ =	shalt  }
0x80: {  	_ =	shalt  }
0x81: {  	_ =	shalt  }
0x82: {  	_ =	shalt  }
0x83: {  	_ =	shalt  }
0x84: {  	_ =	shalt  }
0x85: {  	_ =	shalt  }
0x86: {  	_ =	shalt  }
0x87: {  	_ =	shalt  }
.Lfunc_end0:
.L_simem_size_0:
called_computation_lowered:
.L_overlay_start_0:
0x88: {  	s2 =	sld [smem:$0x3FD9]  }
0x89: {  	s3 =	sld [smem:$0x3FFE];
	_ =	sdelay $0x1  }
0x8a: {  	s1 =	srdreg.scid  }
0x8b: {  	s0 =	sand.u32 $0x1, s1  }
0x8c: {  	s17 =	sshll.u32 s0, $0xA;
	s2 =	sadd.s32 s3, s2  }
0x8d: {  	s2 =	sadd.s32 s2, s17  }
0x8e: {  	[smem:$0x3FC6] =	sst s2  }
0x8f: {  	_ = 	snop  }
0x90: {  	s2 =	sld [smem:$0x3FC9]  }
0x91: {  	s18 =	sld [smem:$0x3FC8];
	(tm) =	ssettm $0x1  }
0x92: {  	s4 =	sld [smem:$0x3FFB];
	_ =	sdelay $0x3  }
0x93: {  	_ =	strace s4  }
0x94: {  	s4 =	sld [smem:$0x3FFC];
	_ =	sdelay $0x3  }
0x95: {  	_ =	strace s4  }
0x96: {  	s4 =	sld [smem:$0x3FFD];
	_ =	sdelay $0x3  }
0x97: {  	_ =	strace s4  }
0x98: {  	_ =	strace $0x8FFFFFFF  }
0x99: {  	s19 =	sld [smem:$0x3FDB];
	_ =	sdelay $0x1  }
0x9a: {  	s5 =	simm.s32 $_scs_section_size  }
0x9b: {  	s6 =	simm.s32 $_size__tile_overlayer_lowered;
	s7 =	simm.s32 $_tile_overlayer_lowered  }
0x9c: {  	s22 =	simm.s32 $0x1BFF;
	s21 =	sshll.u32 s7, $0x1;
	s4 =	sadd.s32 s5, s19  }
0x9d: {  	s8 =	simm.s32 $0x0;
	s20 =	sshll.u32 s6, $0x1;
	s6 =	sadd.s32 s21, s4  }
0x9e: {  	[timem:s8], [sflag:s22] =	dma.local [hbm:s6], s20  }
0x9f: {  	_ =	swait.ge [sflag:s22], s20  }
0xa0: {  	s5 =	ssub.s32 $0x0, s20;
	[sflag:s22] =	ssyncset.done $0x0  }
0xa1: {  	[sflag:s22] =	ssyncadd.s32 s5;
	_ =	sdelay $0x1  }
0xa2: {  	s23 =	simm.s32 $0x1B8B  }
0xa3: {  	_ =	swait.ge [sflag:s23], $0x1  }
0xa4: {  	[sflag:s23] =	ssyncset.done $0x0  }
0xa5: {  	s25 =	simm.s32 $0x1B8E;
	s24 =	sld [smem:$0x3FFE];
	[sflag:s23] =	ssyncadd.s32 $0xFFFFFFFF  }
0xa6: {  	s26 =	simm.s32 $execute0_lowered;
	[smem:$0x3FD2] =	sst s25  }
0xa7: {  	s6 =	sshll.u32 s26, $0x1;
	_ =	strace $0x80000046;
	[dreg:$0x1] =	wrdreg $0xFFFFFFFF  }
0xa8: {  	s28 =	simm.s32 $_size_execute0_lowered;
	s4 =	sadd.s32 s4, s6;
	[dreg:$0x0] =	wrdreg $0x0  }
0xa9: {  	s6 =	sshll.u32 s28, $0x1;
	[dreg:$0x2] =	wrdreg s4  }
0xaa: {  	[dreg:$0x3] =	wrdreg s6  }
0xab: {  	[dreg:$0x4] =	wrdreg $0xC0  }
0xac: {  	_ =	task [dreg:s8], $0x5FFFF  }
0xad: {  	[dreg:$0x1] =	wrdreg $0xFFFFFFFF  }
0xae: {  	[dreg:$0x0] =	wrdreg $0x60  }
0xaf: {  	[dreg:$0x2] =	wrdreg s2  }
0xb0: {  	[dreg:$0x3] =	wrdreg s18  }
0xb1: {  	[dreg:$0x4] =	wrdreg s24  }
0xb2: {  	[dreg:$0x5] =	wrdreg $0x9  }
0xb3: {  	_ =	task.clear_ibuf [dreg:s8], $0x6FFFF;
	_ =	strace $0x90000046  }
0xb4: {  	s29 =	simm.s32 $0x9;
	_ =	strace $0x80000048  }
0xb5: {  	_ =	swait.ge [sflag:s29], $0x1  }
0xb6: {  	[sflag:s29] =	ssyncadd.s32 $0xFFFFFFFF  }
0xb7: {  	_ =	strace $0x90000048  }
0xb8: {  	_ =	sfence  }
0xb9: {  	s30 =	sld [smem:$0x0];
	_ =	sdelay $0x2  }
0xba: {  	s31 =	sshll.u32 s1, $0xD;
	s1 =	sshrl.u32 s1, $0x2  }
0xbb: {  	s3 =	sand.u32 $0x4000, s31;
	s1 =	sadd.s32 s1, s30  }
0xbc: {  	s0 =	sor.u32 s3, s0;
	s1 =	sshll.u32 s1, $0x11  }
0xbd: {  	s0 =	sor.u32 s1, s0  }
0xbe: {  	s0 =	sadd.s32 $0x8F2B, s0  }
0xbf: {  	[sflag:s0] =	ssyncadd.remote.s32 $0x1  }
0xc0: {  	_ =	sfence.sel $0xFFFF  }
0xc1: {  	[dreg:$0x0] =	wrdreg $0xFFFFFFFF;
	(pc) =	sbr.abs _section_cstart, $3  }
0xc2: {  	[dreg:$0x1] =	wrdreg $0xFFFFFFFF  }
0xc3: {  	_ =	task.clear_ibuf [dreg:s8], $0x2FFFF;
	_ =	strace $0x9FFFFFFF  }
0xc4: {  	(tm) =	ssettm $0x7FFFFFFF  }
0xc5: {  	_ =	shalt  }
tec
execute0_lowered:
.L_overlay_start_1:
0x0: {  	(tag) =	ssettag $0x1  }
0x1: {  	s1 =	rddreg [dreg:$0x0]  }
0x2: {  	s4 =	rddreg [dreg:$0x1]  }
0x3: {  	s6 =	rddreg [dreg:$0x2]  }
0x4: {  	s2 =	srdreg.scid;
	s0 =	rddreg [dreg:$0x3];
	s3 =	simm.s32 $0x0  }
0x5: {  	s13 =	simm.s32 $0x100;
	s14 =	simm.s32 $0x4100;
	s15 =	simm.s32 $0x1  }
0x6: {  	s16 =	simm.s32 $0x2;
	s17 =	simm.s32 $0x8100;
	s18 =	simm.s32 $0x8180  }
0x7: {  	s19 =	simm.s32 $0x0;
	s11 =	sand.u32 $0x1, s2;
	[smem:$0x7FF] =	sst s3  }
0x8: {  	s2 =	stileid.u32;
	s5 =	sshll.u32 s11, $0x4;
	_ =	strace $0x80000047  }
0x9: {  	s7 =	ssub.s32 $0x2, s11;
	s9 =	sshll.u32 s2, $0x4;
	s11 =	sshll.u32 s11, $0xC  }
0xa: {  	s12 =	sshll.u32 s2, $0x8;
	s5 =	sor.u32 s2, s5;
	s9 =	sand.u32 $0x70, s9  }
0xb: {  	s10 =	sshrl.u32 s7, $0x1;
	s11 =	sor.u32 s12, s11;
	s8 =	sshll.u32 s5, $0x4  }
0xc: {  	s12 =	simm.s32 $0x3;
	s5 =	sshll.u32 s5, $0xD;
	s8 =	sand.u32 $0x180, s8  }
0xd: {  	s10 =	ssub.s32 s7, s10;
	s4 =	sadd.s32 s4, s5;
	s8 =	sor.u32 s9, s8  }
0xe: {  	s10 =	smax.u32 s10, $0x1;
	s5 =	sadd.s32 $0x800, s4;
	s6 =	sadd.s32 s6, s8  }
0xf: {  	s7 =	sadd.s32 $0x1000, s4;
	s8 =	sadd.s32 $0x1800, s4;
	s9 =	sadd.s32 $0x200, s6  }
.LBB2_1:
0x10: {  	[tilespmem:s3], [sflag:$0x3] =	stream.linear.gather [hbm4b:s1+s3], $0x100, $0x38;
	[tilespmem:$0x8200] =	vst v63  }
0x11: {  	_ =	swait.ge [sflag:s12], $0x100  }
0x12: {  	[sflag:s12] =	ssyncset.done $0x0  }
0x13: {  	[sflag:s12] =	ssyncadd.s32 $0xFFFFFF00  }
0x14: {  	[tilespmem:s13], [sflag:$0x1] =	stream.linear.gather [hbm4b:s4+s3], $0x4000, $0x38;
	[tilespmem:$0x8200] =	vst v63  }
0x15: {  	v9 =	vld [tilespmem:$0x0]  }
0x16: {  	v10 =	vld [tilespmem:$0x10]  }
0x17: {  	v11 =	vld [tilespmem:$0x20]  }
0x18: {  	v12 =	vld [tilespmem:$0x30]  }
0x19: {  	v13 =	vld [tilespmem:$0x40]  }
0x1a: {  	v14 =	vld [tilespmem:$0x50]  }
0x1b: {  	v15 =	vld [tilespmem:$0x60]  }
0x1c: {  	v16 =	vld [tilespmem:$0x70]  }
0x1d: {  	v8 =	vld [tilespmem:$0x80]  }
0x1e: {  	v6 =	vld [tilespmem:$0x90]  }
0x1f: {  	v5 =	vld [tilespmem:$0xA0]  }
0x20: {  	v4 =	vld [tilespmem:$0xB0]  }
0x21: {  	v0 =	vld [tilespmem:$0xC0];
	v7 =	vmul.f32 v9, v9;
	v17 =	vmul.f32 v10, v10  }
0x22: {  	v3 =	vld [tilespmem:$0xD0];
	v18 =	vmul.f32 v11, v11;
	v19 =	vmul.f32 v12, v12  }
0x23: {  	v1 =	vld [tilespmem:$0xE0];
	v20 =	vmul.f32 v13, v13;
	v21 =	vmul.f32 v14, v14  }
0x24: {  	v2 =	vld [tilespmem:$0xF0];
	v22 =	vmul.f32 v15, v15;
	v23 =	vmul.f32 v16, v16  }
0x25: {  	v24 =	vmul.f32 v8, v8;
	v25 =	vmul.f32 v6, v6  }
0x26: {  	v26 =	vmul.f32 v5, v5;
	v27 =	vmul.f32 v4, v4  }
0x27: {  	v28 =	vmul.f32 v0, v0;
	v29 =	vmul.f32 v3, v3  }
0x28: {  	v30 =	vmul.f32 v1, v1;
	v7 =	vadd.f32 v17, v7;
	v17 =	vadd.f32 v19, v18  }
0x29: {  	v18 =	vmul.f32 v2, v2;
	v19 =	vadd.f32 v21, v20;
	v20 =	vadd.f32 v23, v22  }
0x2a: {  	v21 =	vadd.f32 v25, v24;
	v22 =	vadd.f32 v27, v26  }
0x2b: {  	v23 =	vadd.f32 v29, v28;
	v18 =	vadd.f32 v18, v30  }
0x2c: {  	v7 =	vadd.f32 v17, v7;
	v17 =	vadd.f32 v20, v19  }
0x2d: {  	v19 =	vadd.f32 v22, v21;
	v18 =	vadd.f32 v18, v23;
	_ =	sdelay $0x1  }
0x2e: {  	v7 =	vadd.f32 v17, v7;
	v17 =	vadd.f32 v18, v19;
	_ =	sdelay $0x1  }
0x2f: {  	v7 =	vadd.f32 v17, v7;
	_ =	sdelay $0x1  }
0x30: {  	(xrf2) =	vadd.scan.msk.f32 $0xffff, v7;
	_ =	sdelay $0x7  }
0x31: {  	[tilespmem:s14], [sflag:$0x2] =	stream.linear.gather [hbm4b:s5+s3], $0x4000, $0x38;
	[tilespmem:$0x8200] =	vst v63  }
0x32: {  	[tilespmem:$0x1FF50] =	vst v4  }
0x33: {  	[tilespmem:$0x1FF60] =	vst v2;
	v4, _, _ =	vpop (xrf2)  }
0x34: {  	[tilespmem:$0x1FF70] =	vst v4  }
0x35: {  	s21 =	simm.s32 $0x80;
	s20 =	sand.u32 $0x3800, s3;
	_ =	swait.ge [sflag:s15], $0x4000  }
0x36: {  	s22 =	sor.u32 $0x100, s20;
	s31 =	sand.u32 $0x380, s21;
	[sflag:s15] =	ssyncset.done $0x0  }
0x37: {  	s20 =	sadd.s32 s31, s22;
	[sflag:s15] =	ssyncadd.s32 $0xFFFFC000  }
0x38: {  	v17 =	vld [tilespmem:s20+$0x440]  }
0x39: {  	v18 =	vld [tilespmem:s20+$0x450]  }
0x3a: {  	v23 =	vld [tilespmem:s20+$0x460]  }
0x3b: {  	v26 =	vld [tilespmem:s20+$0x400]  }
0x3c: {  	v27 =	vld [tilespmem:s20+$0x410]  }
0x3d: {  	v28 =	vld [tilespmem:s20+$0x420]  }
0x3e: {  	v29 =	vld [tilespmem:s20+$0x0]  }
0x3f: {  	v30 =	vld [tilespmem:s20+$0x10]  }
0x40: {  	v31 =	vld [tilespmem:s20+$0x20]  }
0x41: {  	v32 =	vld [tilespmem:s20+$0x30]  }
0x42: {  	v33 =	vld [tilespmem:s20+$0x40]  }
0x43: {  	s23 =	simm.s32 $0x0;
	v34 =	vld [tilespmem:s20+$0x50]  }
0x44: {  	s23 =	sand.u32 $0x300, s23;
	v35 =	vld [tilespmem:s20+$0x60]  }
0x45: {  	s23 =	sadd.s32 s23, s22;
	v36 =	vld [tilespmem:s20+$0x70]  }
0x46: {  	v37 =	vld [tilespmem:s23+$0x0]  }
0x47: {  	v38 =	vld [tilespmem:s23+$0x10];
	[tilespmem:$0x1FF80] =	vst v0  }
0x48: {  	[tilespmem:$0x1FF90] =	vst v3  }
0x49: {  	v39 =	vld [tilespmem:s23+$0x20];
	[tilespmem:$0x1FFA0] =	vst v8;
	v19 =	vmul.f32 v17, v0;
	v20 =	vmul.f32 v18, v3  }
0x4a: {  	[tilespmem:$0x1FFB0] =	vst v1;
	v0 =	vmul.f32 v26, v8;
	v21 =	vmul.f32 v23, v1  }
0x4b: {  	v40 =	vld [tilespmem:s23+$0x30];
	[tilespmem:$0x1FFC0] =	vst v6;
	v1 =	vmul.f32 v27, v6;
	v6 =	vmul.f32 v29, v9  }
0x4c: {  	v44 =	vld [tilespmem:s23+$0x40];
	[tilespmem:$0x1FFD0] =	vst v5;
	v22 =	vmul.f32 v28, v5;
	v5 =	vmul.f32 v30, v10  }
0x4d: {  	v7 =	vmul.f32 v31, v11;
	v8 =	vmul.f32 v32, v12  }
0x4e: {  	v55 =	vmul.f32 v33, v13;
	v56 =	vmul.f32 v34, v14  }
0x4f: {  	v57 =	vmul.f32 v35, v15;
	v54 =	vmul.f32 v36, v16  }
0x50: {  	v63 =	vmul.f32 v37, v9;
	v58 =	vmul.f32 v38, v10  }
0x51: {  	v24 =	vmul.f32 v17, v17;
	v25 =	vmul.f32 v18, v18  }
0x52: {  	v23 =	vmul.f32 v23, v23;
	v3 =	vmul.f32 v26, v26  }
0x53: {  	v4 =	vmul.f32 v27, v27;
	v50 =	vmul.f32 v29, v29  }
0x54: {  	v2 =	vmul.f32 v28, v28;
	v47 =	vmul.f32 v30, v30  }
0x55: {  	v53 =	vmul.f32 v31, v31;
	v51 =	vmul.f32 v32, v32  }
0x56: {  	v32 =	vmul.f32 v33, v33;
	v41 =	vmul.f32 v34, v34  }
0x57: {  	v46 =	vld [tilespmem:s23+$0x50];
	v18 =	vimm.f32 $-Inf;
	v43 =	vmul.f32 v35, v35;
	v45 =	vmul.f32 v36, v36  }
0x58: {  	v49 =	vld [tilespmem:s23+$0x60];
	v17 =	vimm.s32 $0x0;
	v35 =	vmul.f32 v37, v37;
	v42 =	vmul.f32 v38, v38  }
0x59: {  	v52 =	vld [tilespmem:s23+$0x70];
	[tilespmem:$0x1FFE0] =	vst v9;
	v9 =	vmul.f32 v39, v11;
	v48 =	vmul.f32 v39, v39;
	v55 =	vadd.f32 v55, v6  }
0x5a: {  	[tilespmem:$0x1FFF0] =	vst v10;
	v10 =	vmul.f32 v40, v12;
	v56 =	vadd.f32 v56, v5;
	v31 =	vadd.f32 v57, v7  }
0x5b: {  	v40 =	vmul.f32 v40, v40;
	v26 =	vadd.f32 v54, v8;
	v57 =	vadd.f32 v32, v50  }
0x5c: {  	v37 =	vld [tilespmem:s23+$0x410];
	v5 =	vadd.f32 v43, v53;
	v59 =	vmul.f32 v44, v13;
	v39 =	vmul.f32 v44, v44  }
0x5d: {  	v36 =	vld [tilespmem:s23+$0x420];
	v6 =	vadd.f32 v45, v51;
	v60 =	vmul.f32 v46, v14;
	v61 =	vmul.f32 v49, v15  }
0x5e: {  	v33 =	vld [tilespmem:s20+$0x430];
	v62 =	vmul.f32 v52, v16;
	v7 =	vmul.f32 v46, v46;
	v43 =	vadd.f32 v1, v56  }
0x5f: {  	v34 =	vld [tilespmem:s23+$0x400];
	v49 =	vmul.f32 v49, v49;
	v51 =	vadd.f32 v2, v5;
	v30 =	vadd.f32 v59, v63  }
0x60: {  	v38 =	vld [tilespmem:s23+$0x430];
	v50 =	vmul.f32 v52, v52;
	v46 =	vadd.f32 v39, v35;
	v27 =	vadd.f32 v60, v58  }
0x61: {  	v32 =	vld [tilespmem:s23+$0x460];
	v53 =	vmul.f32 v37, v37;
	v28 =	vadd.f32 v61, v9;
	v29 =	vadd.f32 v62, v10  }
0x62: {  	v39 =	vld [tilespmem:s20+$0x470];
	v54 =	vmul.f32 v36, v36;
	v58 =	vadd.f32 v41, v47;
	v47 =	vadd.f32 v7, v42  }
0x63: {  	v35 =	vld [tilespmem:s23+$0x470];
	v7 =	vmul.f32 v33, v33;
	v44 =	vadd.f32 v49, v48;
	v45 =	vadd.f32 v50, v40  }
0x64: {  	v50 =	vmul.f32 v34, v34;
	v40 =	vld [tilespmem:s23+$0x440];
	v42 =	vadd.f32 v0, v55;
	v48 =	vadd.f32 v3, v57  }
0x65: {  	s22 =	simm.s32 $0x0;
	s20 =	simm.s32 $0xFFFFFFFE;
	v41 =	vld [tilespmem:s23+$0x450];
	v55 =	vmul.f32 v38, v38;
	s23 =	simm.s32 $0x200;
	v49 =	vadd.f32 v4, v58;
	v52 =	vadd.f32 v7, v6  }
.LBB2_2:
0x66: {  	v0 =	vld [tilespmem:$0x1FF50]  }
0x67: {  	v6 =	vld [tilespmem:$0x1FFA0]  }
0x68: {  	v5 =	vld [tilespmem:$0x1FFC0]  }
0x69: {  	v4 =	vld [tilespmem:$0x1FFD0]  }
0x6a: {  	v2 =	vld [tilespmem:$0x1FF60]  }
0x6b: {  	s24 =	sand.u32 $0x3800, s23;
	s21 =	sadd.s32 $0x100, s21;
	v57 =	vld [tilespmem:$0x1FF80]  }
0x6c: {  	v3 =	vld [tilespmem:$0x1FF90];
	v46 =	vadd.f32 v50, v46;
	v47 =	vadd.f32 v53, v47;
	s25 =	sor.u32 $0x100, s24;
	s30 =	sand.u32 $0x380, s21  }
0x6d: {  	v1 =	vld [tilespmem:$0x1FFB0];
	v44 =	vadd.f32 v54, v44;
	v45 =	vadd.f32 v55, v45;
	s24 =	sadd.s32 s30, s25  }
0x6e: {  	v48 =	vadd.f32 v24, v48;
	v25 =	vadd.f32 v25, v49;
	v24 =	vld [tilespmem:s24+$0x440]  }
0x6f: {  	v23 =	vadd.f32 v23, v51;
	v22 =	vadd.f32 v22, v31;
	v51 =	vld [tilespmem:s24+$0x450]  }
0x70: {  	v20 =	vadd.f32 v20, v43;
	v53 =	vld [tilespmem:s24+$0x460];
	v59 =	vmul.f32 v39, v39;
	v60 =	vmul.f32 v40, v40  }
0x71: {  	v25 =	vadd.f32 v25, v48;
	v48 =	vld [tilespmem:s24+$0x400];
	v61 =	vmul.f32 v41, v41;
	v62 =	vmul.f32 v32, v32  }
0x72: {  	s26 =	sadd.s32 $0xFFFFFF80, s21;
	v49 =	vld [tilespmem:s24+$0x410];
	v21 =	vadd.f32 v21, v22;
	v63 =	vmul.f32 v35, v35;
	v33 =	vmul.f32 v33, v0  }
0x73: {  	s26 =	sand.u32 $0x300, s26;
	v31 =	vld [tilespmem:s24+$0x420];
	v34 =	vmul.f32 v34, v6;
	v37 =	vmul.f32 v37, v5;
	v50 =	vadd.f32 v59, v52  }
0x74: {  	s25 =	sadd.s32 s26, s25;
	v55 =	vmul.f32 v38, v0;
	v38 =	vld [tilespmem:s24+$0x70];
	v46 =	vadd.f32 v60, v46;
	v47 =	vadd.f32 v61, v47  }
0x75: {  	v58 =	vmul.f32 v41, v3;
	v41 =	vld [tilespmem:s25+$0x30];
	v44 =	vadd.f32 v62, v44;
	v45 =	vadd.f32 v63, v45  }
0x76: {  	v56 =	vmul.f32 v39, v2;
	v59 =	vadd.f32 v19, v42;
	v63 =	vld [tilespmem:$0x1FFE0];
	v30 =	vadd.f32 v34, v30  }
0x77: {  	v60 =	vmul.f32 v32, v1;
	v26 =	vadd.f32 v33, v26;
	v33 =	vld [tilespmem:s24+$0x10];
	v23 =	vadd.f32 v50, v23  }
0x78: {  	v34 =	vld [tilespmem:s24+$0x30];
	v54 =	vadd.f32 v47, v46;
	v44 =	vadd.f32 v45, v44;
	v19 =	vmul.f32 v24, v57  }
0x79: {  	v45 =	vld [tilespmem:s24+$0x0];
	v61 =	vadd.f32 v20, v59;
	v20 =	vmul.f32 v51, v3;
	v32 =	vmul.f32 v48, v6  }
0x7a: {  	v50 =	vld [tilespmem:s25+$0x50];
	v24 =	vmul.f32 v24, v24;
	v48 =	vmul.f32 v48, v48;
	v23 =	vadd.f32 v23, v25  }
0x7b: {  	v59 =	vld [tilespmem:s25+$0x70];
	v22 =	vadd.f32 v56, v26;
	v25 =	vmul.f32 v36, v4;
	v56 =	vmul.f32 v38, v16  }
0x7c: {  	v26 =	vld [tilespmem:s24+$0x50];
	v39 =	vmul.f32 v41, v12;
	(xrf2) =	vadd.scan.msk.f32 $0xffff, v23;
	v23 =	vadd.f32 v37, v27;
	v27 =	vadd.f32 v44, v54  }
0x7d: {  	v36 =	vld [tilespmem:s24+$0x60];
	v22 =	vadd.f32 v22, v21;
	v21 =	vmul.f32 v53, v1;
	v25 =	vadd.f32 v25, v28  }
0x7e: {  	v37 =	vld [tilespmem:s24+$0x20];
	v28 =	vadd.f32 v55, v29;
	v29 =	vmul.f32 v40, v57;
	v46 =	vmul.f32 v34, v12;
	(xrf2) =	vadd.scan.msk.f32 $0xffff, v27  }
0x7f: {  	v40 =	vld [tilespmem:s25+$0x10];
	v3 =	vmul.f32 v34, v34;
	v62 =	vadd.f32 v22, v61;
	v22 =	vmul.f32 v31, v4  }
0x80: {  	v44 =	vld [tilespmem:s25+$0x40];
	v0 =	vmul.f32 v59, v16;
	v29 =	vadd.f32 v29, v30;
	v30 =	vmul.f32 v35, v2  }
0x81: {  	v23 =	vadd.f32 v58, v23;
	v25 =	vadd.f32 v60, v25;
	v35 =	vmul.f32 v49, v5;
	v5 =	vld [tilespmem:$0x1FFF0]  }
0x82: {  	v27 =	vld [tilespmem:s24+$0x40];
	v52 =	vmul.f32 v26, v14;
	v49 =	vmul.f32 v49, v49;
	v28 =	vadd.f32 v30, v28  }
0x83: {  	v7 =	vld [tilespmem:$0x1FF70];
	(xrf2) =	vadd.scan.msk.f32 $0xffff, v62;
	v54 =	vmul.f32 v36, v15;
	v62 =	vmul.f32 v50, v14;
	v23 =	vadd.f32 v23, v29  }
0x84: {  	v30 =	vld [tilespmem:s25+$0x0];
	v29 =	vmul.f32 v45, v63;
	v45 =	vmul.f32 v45, v45;
	v25 =	vadd.f32 v28, v25  }
0x85: {  	v55 =	vld [tilespmem:s25+$0x60];
	v43 =	vmul.f32 v37, v11;
	v61 =	vmul.f32 v44, v13  }
0x86: {  	v2 =	vmul.f32 v37, v37;
	v42 =	vmul.f32 v33, v5;
	v6 =	vadd.f32 v25, v23  }
0x87: {  	v28 =	vld [tilespmem:s25+$0x20];
	v47 =	vmul.f32 v27, v13;
	v58 =	vmul.f32 v40, v5;
	v4, _, _ =	vpop (xrf2)  }
0x88: {  	v5 =	vmul.f32 v26, v26;
	v40 =	vmul.f32 v40, v40;
	(xrf2) =	vadd.scan.msk.f32 $0xffff, v6;
	v23, _, _ =	vpop (xrf2)  }
0x89: {  	v57 =	vmul.f32 v30, v63;
	v23 =	vmul.f32 v23, v7  }
0x8a: {  	v63 =	vmul.f32 v55, v15;
	v10 =	vadd.f32 v47, v29;
	v25 =	vmul.f32 v4, v7  }
0x8b: {  	v52 =	vadd.f32 v52, v42;
	v6 =	vmul.f32 v38, v38;
	v23 =	vmax.f32 v23, $1.000000020e-16  }
0x8c: {  	v60 =	vmul.f32 v28, v11;
	(erf) = vrcp.f32 v23;
	v23 =	vmax.f32 v25, $1.000000020e-16  }
0x8d: {  	v29 =	vadd.f32 v0, v39;
	v4 =	vmul.f32 v27, v27;
	v1, _, _ =	vpop (xrf2);
	(erf) = vrcp.f32 v23  }
0x8e: {  	v9 =	vmul.f32 v28, v28;
	v42 =	vadd.f32 v32, v10;
	v8 =	vand.u32 $0x7FFFFFFF, v1  }
0x8f: {  	v38 =	vld [tilespmem:s25+$0x430];
	v3 =	vadd.f32 v6, v3;
	v7 =	vmul.f32 v36, v36;
	v1 =	vmul.f32 v8, v1  }
0x90: {  	v28 =	vadd.f32 v63, v60;
	v23 =	vmul.f32 v53, v53;
	v53 =	vmul.f32 v33, v33;
	v33 =	vld [tilespmem:s24+$0x430]  }
0x91: {  	v8 =	vmul.f32 v30, v30;
	v30 =	vadd.f32 v61, v57;
	v61 =	vmul.f32 v55, v55  }
0x92: {  	v36 =	vld [tilespmem:s25+$0x420];
	v4 =	vadd.f32 v4, v45;
	v25 =	vmul.f32 v51, v51;
	v51 =	vmul.f32 v31, v31;
	v31, _, _ =	vpop (xrf2)  }
0x93: {  	v2 =	vadd.f32 v7, v2;
	v5 =	vadd.f32 v5, v53;
	v37 =	vand.u32 $0x7FFFFFFF, v31  }
0x94: {  	v48 =	vadd.f32 v48, v4;
	v55 =	vmul.f32 v38, v38;
	v31 =	vmul.f32 v37, v31;
	v37 =	vld [tilespmem:s25+$0x410]  }
0x95: {  	v51 =	vadd.f32 v51, v2;
	v49 =	vadd.f32 v49, v5;
	v63 =	vmul.f32 v33, v33;
	v27 =	vpop (erf)  }
0x96: {  	v27 =	vmul.f32 v27, v31;
	v26 =	vpop (erf);
	v31 =	vadd.f32 v54, v43;
	v43 =	vadd.f32 v35, v52  }
0x97: {  	s31 =	sadd.s32 s20, s11;
	s20 =	smov.u32 s22;
	s22 =	sadd.s32 $0x2, s22;
	v54 =	vmul.f32 v36, v36;
	v52 =	vadd.f32 v63, v3;
	v1 =	vmul.f32 v26, v1  }
0x98: {  	p0 =	slt.u32 s22, $0x3E;
	v34 =	vld [tilespmem:s25+$0x400];
	v26 =	vadd.f32 v56, v46;
	v56 =	vmul.f32 v44, v44;
	vm0 =	vgt.f32 v27, v18  }
.Ltmp0:
0x99: {  	v39 =	vld [tilespmem:s24+$0x470];
	v44 =	vadd.f32 v61, v9;
	v53 =	vmul.f32 v37, v37;
	v18 =	vsel vm0, v27, v18;
	(pc) =	sbr.rel @p0 .LBB2_2-.Ltmp0, $4  }
0x9a: {  	v32 =	vld [tilespmem:s25+$0x460];
	v27 =	vadd.f32 v62, v58;
	v58 =	vmul.f32 v50, v50;
	vm15 =	vgt.f32 v1, v18  }
0x9b: {  	s28 =	sadd.s32 $0x2, s31;
	v35 =	vld [tilespmem:s25+$0x470];
	v62 =	vmul.f32 v59, v59;
	v18 =	vsel vm15, v1, v18;
	v1 =	vmul.f32 v41, v41  }
0x9c: {  	s26 =	sadd.s32 $0x3, s31;
	v17 =	vsel vm0, s28, v17;
	v46 =	vadd.f32 v56, v8;
	v47 =	vadd.f32 v58, v40;
	v40 =	vld [tilespmem:s25+$0x440]  }
0x9d: {  	s23 =	sadd.s32 $0x200, s23;
	v50 =	vmul.f32 v34, v34;
	v17 =	vsel vm15, s26, v17;
	v41 =	vld [tilespmem:s25+$0x450];
	v45 =	vadd.f32 v62, v1  }
0x9e: {  	v1 =	vadd.f32 v53, v47;
	v3 =	vadd.f32 v54, v44  }
0x9f: {  	v7 =	vadd.f32 v24, v48;
	v8 =	vadd.f32 v25, v49  }
0xa0: {  	v2 =	vmul.f32 v39, v39;
	v10 =	vadd.f32 v23, v51;
	v0 =	vadd.f32 v50, v46  }
0xa1: {  	v61 =	vld [tilespmem:$0x1FF50];
	v4 =	vadd.f32 v55, v45;
	v9 =	vmul.f32 v32, v32;
	v23 =	vmul.f32 v35, v35  }
0xa2: {  	v44 =	vld [tilespmem:$0x1FFA0];
	v2 =	vadd.f32 v2, v52;
	v5 =	vmul.f32 v40, v40;
	v6 =	vmul.f32 v41, v41  }
0xa3: {  	v3 =	vadd.f32 v9, v3;
	v4 =	vadd.f32 v23, v4  }
0xa4: {  	v25 =	vld [tilespmem:$0x1FFC0];
	v0 =	vadd.f32 v5, v0;
	v1 =	vadd.f32 v6, v1  }
0xa5: {  	v24 =	vld [tilespmem:$0x1FFD0];
	v59 =	vadd.f32 v8, v7;
	v2 =	vadd.f32 v2, v10  }
0xa6: {  	v23 =	vld [tilespmem:$0x1FF90];
	v62 =	vmul.f32 v33, v61;
	v60 =	vadd.f32 v4, v3;
	v0 =	vadd.f32 v1, v0  }
0xa7: {  	v63 =	vmul.f32 v34, v44;
	v34 =	vadd.f32 v22, v31;
	v22 =	vld [tilespmem:$0x1FF60];
	v2 =	vadd.f32 v2, v59  }
0xa8: {  	v3 =	vadd.f32 v62, v26;
	v62 =	vld [tilespmem:$0x1FF80];
	v0 =	vadd.f32 v60, v0  }
0xa9: {  	v33 =	vmul.f32 v37, v25;
	v37 =	vadd.f32 v63, v30;
	v63 =	vld [tilespmem:$0x1FFB0];
	(xrf2) =	vadd.scan.msk.f32 $0xffff, v2  }
0xaa: {  	v9 =	vadd.f32 v19, v42;
	v36 =	vmul.f32 v36, v24;
	v38 =	vmul.f32 v38, v61;
	(xrf2) =	vadd.scan.msk.f32 $0xffff, v0  }
0xab: {  	v10 =	vadd.f32 v20, v43;
	v45 =	vadd.f32 v33, v27  }
0xac: {  	v6 =	vadd.f32 v36, v28;
	v4 =	vadd.f32 v38, v29;
	v46 =	vmul.f32 v39, v22  }
0xad: {  	v5 =	vadd.f32 v21, v34;
	v8 =	vmul.f32 v41, v23;
	v48 =	vmul.f32 v35, v22  }
0xae: {  	v47 =	vmul.f32 v40, v62;
	v19 =	vmul.f32 v32, v63;
	v1 =	vadd.f32 v46, v3  }
0xaf: {  	v0 =	vadd.f32 v8, v45;
	v3 =	vadd.f32 v48, v4  }
0xb0: {  	v53 =	vld [tilespmem:$0x1FF70];
	v2 =	vadd.f32 v47, v37;
	v6 =	vadd.f32 v19, v6  }
0xb1: {  	v49 =	vadd.f32 v10, v9;
	v1 =	vadd.f32 v1, v5  }
0xb2: {  	v0 =	vadd.f32 v0, v2;
	v50 =	vadd.f32 v3, v6  }
0xb3: {  	v1 =	vadd.f32 v1, v49;
	v51, _, _ =	vpop (xrf2)  }
0xb4: {  	v0 =	vadd.f32 v50, v0;
	v52, _, _ =	vpop (xrf2)  }
0xb5: {  	(xrf2) =	vadd.scan.msk.f32 $0xffff, v1;
	v54 =	vmul.f32 v52, v53  }
0xb6: {  	v55 =	vmul.f32 v51, v53;
	(xrf2) =	vadd.scan.msk.f32 $0xffff, v0  }
0xb7: {  	v1 =	vmax.f32 v54, $1.000000020e-16  }
0xb8: {  	v0 =	vmax.f32 v55, $1.000000020e-16;
	(erf) = vrcp.f32 v1  }
0xb9: {  	(erf) = vrcp.f32 v0;
	_ =	sdelay $0x5  }
0xba: {  	v56, _, _ =	vpop (xrf2)  }
0xbb: {  	v57, _, _ =	vpop (xrf2)  }
0xbc: {  	s22 =	simm.s32 $0x0;
	v58 =	vpop (erf)  }
0xbd: {  	[tilespmem:s13], [sflag:$0x1] =	stream.linear.gather [hbm4b:s7+s22], $0x4000, $0x38;
	v59 =	vpop (erf);
	[tilespmem:$0x8200] =	vst v63  }
0xbe: {  	s21 =	simm.s32 $0x80;
	s22 =	sand.u32 $0x3800, s22;
	_ =	swait.ge [sflag:s16], $0x4000  }
0xbf: {  	s30 =	sand.u32 $0x380, s21;
	s23 =	sor.u32 $0x4100, s22;
	[sflag:s16] =	ssyncset.done $0x0  }
0xc0: {  	s22 =	sadd.s32 s30, s23;
	[sflag:s16] =	ssyncadd.s32 $0xFFFFC000  }
0xc1: {  	v4 =	vld [tilespmem:s22+$0x440]  }
0xc2: {  	v5 =	vld [tilespmem:s22+$0x450]  }
0xc3: {  	v6 =	vld [tilespmem:s22+$0x460]  }
0xc4: {  	v7 =	vld [tilespmem:s22+$0x400]  }
0xc5: {  	v8 =	vld [tilespmem:s22+$0x410]  }
0xc6: {  	v9 =	vld [tilespmem:s22+$0x420]  }
0xc7: {  	v27 =	vld [tilespmem:s22+$0x20]  }
0xc8: {  	v28 =	vld [tilespmem:s22+$0x30]  }
0xc9: {  	v29 =	vld [tilespmem:s22+$0x40]  }
0xca: {  	s24 =	simm.s32 $0x0;
	v30 =	vld [tilespmem:s22+$0x50]  }
0xcb: {  	s24 =	sand.u32 $0x300, s24;
	v20 =	vand.u32 $0x7FFFFFFF, v56;
	v19 =	vand.u32 $0x7FFFFFFF, v57;
	v31 =	vld [tilespmem:s22+$0x60]  }
0xcc: {  	s23 =	sadd.s32 s24, s23;
	v0 =	vmul.f32 v20, v56;
	v1 =	vmul.f32 v19, v57;
	v32 =	vld [tilespmem:s22+$0x70]  }
0xcd: {  	v3 =	vld [tilespmem:s23+$0x20]  }
0xce: {  	v1 =	vmul.f32 v58, v1;
	v0 =	vmul.f32 v59, v0;
	v34 =	vld [tilespmem:s23+$0x30]  }
0xcf: {  	v37 =	vld [tilespmem:s23+$0x40];
	v19 =	vmul.f32 v4, v62;
	v20 =	vmul.f32 v5, v23  }
0xd0: {  	v39 =	vld [tilespmem:s23+$0x50];
	v35 =	vmul.f32 v7, v44;
	v21 =	vmul.f32 v6, v63  }
0xd1: {  	v42 =	vld [tilespmem:s23+$0x60];
	v43 =	vmul.f32 v8, v25;
	v22 =	vmul.f32 v9, v24  }
0xd2: {  	v46 =	vld [tilespmem:s23+$0x70];
	v40 =	vmul.f32 v27, v11;
	v41 =	vmul.f32 v28, v12  }
0xd3: {  	v60 =	vmul.f32 v29, v13;
	v61 =	vmul.f32 v30, v14  }
0xd4: {  	v26 =	vld [tilespmem:s22+$0x10];
	v47 =	vmul.f32 v31, v15;
	v48 =	vmul.f32 v32, v16  }
0xd5: {  	v51 =	vmul.f32 v3, v11;
	v52 =	vmul.f32 v34, v12  }
0xd6: {  	v10 =	vld [tilespmem:s22+$0x0];
	v53 =	vmul.f32 v37, v13;
	v54 =	vmul.f32 v39, v14  }
0xd7: {  	v33 =	vld [tilespmem:s23+$0x0];
	v55 =	vmul.f32 v42, v15;
	v56 =	vmul.f32 v46, v16  }
0xd8: {  	v23 =	vld [tilespmem:$0x1FFE0];
	v25 =	vmul.f32 v5, v5;
	v5 =	vmul.f32 v8, v8  }
0xd9: {  	v24 =	vld [tilespmem:$0x1FFF0];
	v8 =	vmul.f32 v26, v26;
	v57 =	vmul.f32 v28, v28  }
0xda: {  	vm0 =	vgt.f32 v1, v18;
	v2 =	vld [tilespmem:s23+$0x10];
	v58 =	vmul.f32 v29, v29;
	v59 =	vmul.f32 v30, v30  }
0xdb: {  	v1 =	vsel vm0, v1, v18;
	v3 =	vmul.f32 v3, v3;
	v45 =	vmul.f32 v34, v34  }
0xdc: {  	v39 =	vmul.f32 v39, v39;
	v29 =	vadd.f32 v56, v52;
	v56 =	vmul.f32 v42, v42  }
0xdd: {  	v8 =	vadd.f32 v59, v8;
	v59 =	vmul.f32 v46, v46;
	v36 =	vmul.f32 v10, v23  }
0xde: {  	vm15 =	vgt.f32 v0, v1;
	v38 =	vmul.f32 v26, v24;
	v49 =	vmul.f32 v33, v23  }
0xdf: {  	v28 =	vadd.f32 v55, v51;
	v50 =	vmul.f32 v2, v24;
	v24 =	vmul.f32 v4, v4  }
0xe0: {  	s20 =	sadd.s32 s20, s11;
	v44 =	vadd.f32 v56, v3;
	v23 =	vmul.f32 v6, v6;
	v4 =	vmul.f32 v7, v7  }
0xe1: {  	s31 =	sadd.s32 $0x2, s20;
	v45 =	vadd.f32 v59, v45;
	v6 =	vmul.f32 v10, v10;
	v7 =	vmul.f32 v9, v9  }
0xe2: {  	v9 =	vsel vm0, s31, v17;
	v10 =	vmul.f32 v27, v27;
	v17 =	vsel vm15, v0, v1  }
0xe3: {  	s20 =	sadd.s32 $0x3, s20;
	v34 =	vld [tilespmem:s23+$0x400];
	v0 =	vmul.f32 v31, v31;
	v1 =	vmul.f32 v32, v32;
	v31 =	vadd.f32 v47, v40  }
0xe4: {  	v26 =	vadd.f32 v48, v41;
	v48 =	vmul.f32 v37, v37;
	v37 =	vld [tilespmem:s23+$0x410];
	v18 =	vsel vm15, s20, v9  }
0xe5: {  	v9 =	vmul.f32 v33, v33;
	v33 =	vld [tilespmem:s22+$0x430];
	v32 =	vadd.f32 v60, v36;
	v60 =	vadd.f32 v61, v38  }
0xe6: {  	v2 =	vmul.f32 v2, v2;
	v30 =	vadd.f32 v53, v49;
	v27 =	vadd.f32 v54, v50;
	v36 =	vld [tilespmem:s23+$0x420]  }
0xe7: {  	v6 =	vadd.f32 v58, v6;
	v38 =	vld [tilespmem:s23+$0x430];
	v0 =	vadd.f32 v0, v10  }
0xe8: {  	v40 =	vld [tilespmem:s23+$0x440];
	v1 =	vadd.f32 v1, v57;
	v47 =	vadd.f32 v39, v2  }
0xe9: {  	v41 =	vld [tilespmem:s23+$0x450];
	v50 =	vmul.f32 v34, v34;
	v49 =	vadd.f32 v5, v8;
	v46 =	vadd.f32 v48, v9  }
0xea: {  	v39 =	vld [tilespmem:s22+$0x470];
	v42 =	vadd.f32 v35, v32;
	v43 =	vadd.f32 v43, v60;
	v61 =	vmul.f32 v33, v33  }
0xeb: {  	v32 =	vld [tilespmem:s23+$0x460];
	v48 =	vadd.f32 v4, v6;
	v51 =	vadd.f32 v7, v0;
	v53 =	vmul.f32 v37, v37  }
0xec: {  	s20 =	simm.s32 $0xFFFFFFFE;
	s22 =	simm.s32 $0x0;
	v35 =	vld [tilespmem:s23+$0x470];
	s23 =	simm.s32 $0x200;
	v54 =	vmul.f32 v36, v36;
	v55 =	vmul.f32 v38, v38;
	v52 =	vadd.f32 v61, v1  }
.LBB2_4:
0xed: {  	v61 =	vld [tilespmem:$0x1FF50]  }
0xee: {  	v22 =	vadd.f32 v22, v31;
	v57 =	vld [tilespmem:$0x1FFE0]  }
0xef: {  	v59 =	vld [tilespmem:$0x1FFF0];
	v0 =	vadd.f32 v50, v46;
	v1 =	vadd.f32 v53, v47  }
0xf0: {  	v3 =	vadd.f32 v54, v44;
	v7 =	vadd.f32 v24, v48;
	v48 =	vld [tilespmem:$0x1FFA0]  }
0xf1: {  	v4 =	vadd.f32 v55, v45;
	v8 =	vadd.f32 v25, v49;
	v49 =	vld [tilespmem:$0x1FFC0]  }
0xf2: {  	s24 =	sand.u32 $0x3800, s23;
	s21 =	sadd.s32 $0x100, s21;
	v10 =	vadd.f32 v23, v51;
	v50 =	vld [tilespmem:$0x1FFD0];
	v20 =	vadd.f32 v20, v43;
	v2 =	vmul.f32 v39, v39  }
0xf3: {  	s25 =	sor.u32 $0x4100, s24;
	s30 =	sand.u32 $0x380, s21;
	v53 =	vld [tilespmem:$0x1FF60];
	v21 =	vadd.f32 v21, v22;
	v5 =	vmul.f32 v40, v40;
	v6 =	vmul.f32 v41, v41  }
0xf4: {  	v55 =	vld [tilespmem:$0x1FF90];
	s24 =	sadd.s32 s30, s25;
	v7 =	vadd.f32 v8, v7;
	v9 =	vmul.f32 v32, v32;
	v60 =	vmul.f32 v35, v35  }
0xf5: {  	s26 =	sadd.s32 $0xFFFFFF80, s21;
	v24 =	vld [tilespmem:s24+$0x440];
	v56 =	vmul.f32 v32, v63;
	v2 =	vadd.f32 v2, v52;
	v0 =	vadd.f32 v5, v0  }
0xf6: {  	s26 =	sand.u32 $0x300, s26;
	v23 =	vld [tilespmem:s24+$0x450];
	v25 =	vmul.f32 v33, v61;
	v1 =	vadd.f32 v6, v1;
	v3 =	vadd.f32 v9, v3  }
0xf7: {  	v8 =	vld [tilespmem:s24+$0x400];
	s25 =	sadd.s32 s26, s25;
	v4 =	vadd.f32 v60, v4;
	v9 =	vmul.f32 v37, v49;
	v31 =	vmul.f32 v36, v50  }
0xf8: {  	v44 =	vld [tilespmem:s25+$0x60];
	v54 =	vmul.f32 v39, v53;
	v25 =	vadd.f32 v25, v26;
	v2 =	vadd.f32 v2, v10  }
0xf9: {  	v33 =	vld [tilespmem:s24+$0x50];
	v22 =	vmul.f32 v35, v53;
	v0 =	vadd.f32 v1, v0;
	v51 =	vadd.f32 v4, v3  }
0xfa: {  	v6 =	vld [tilespmem:s24+$0x460];
	v10 =	vmul.f32 v34, v48;
	v9 =	vadd.f32 v9, v27;
	v2 =	vadd.f32 v2, v7  }
0xfb: {  	v5 =	vld [tilespmem:s24+$0x410];
	v27 =	vadd.f32 v31, v28;
	v28 =	vmul.f32 v40, v62;
	v31 =	vadd.f32 v19, v42  }
0xfc: {  	v36 =	vld [tilespmem:s25+$0x30];
	v1 =	vadd.f32 v54, v25;
	v52 =	vadd.f32 v10, v30;
	v10 =	vmul.f32 v38, v61;
	(xrf2) =	vadd.scan.msk.f32 $0xffff, v2  }
0xfd: {  	v26 =	vld [tilespmem:s24+$0x20];
	v19 =	vmul.f32 v24, v62;
	v0 =	vadd.f32 v51, v0;
	v25 =	vadd.f32 v20, v31  }
0xfe: {  	v3 =	vld [tilespmem:s24+$0x0];
	v30 =	vmul.f32 v41, v55;
	v27 =	vadd.f32 v56, v27;
	v10 =	vadd.f32 v10, v29  }
0xff: {  	v32 =	vmul.f32 v8, v48;
	v34 =	vld [tilespmem:s25+$0x10];
	v1 =	vadd.f32 v1, v21;
	v4 =	vadd.f32 v28, v52  }
0x100: {  	v24 =	vmul.f32 v24, v24;
	v7 =	vld [tilespmem:s24+$0x420];
	v9 =	vadd.f32 v30, v9;
	(xrf2) =	vadd.scan.msk.f32 $0xffff, v0;
	v10 =	vadd.f32 v22, v10  }
0x101: {  	v20 =	vmul.f32 v23, v55;
	v31 =	vld [tilespmem:s25+$0x0];
	v42 =	vmul.f32 v33, v14;
	v25 =	vadd.f32 v1, v25  }
0x102: {  	v41 =	vld [tilespmem:s25+$0x50];
	v56 =	vmul.f32 v33, v33;
	v4 =	vadd.f32 v9, v4;
	v9 =	vadd.f32 v10, v27  }
0x103: {  	v21 =	vmul.f32 v6, v63;
	v35 =	vmul.f32 v5, v49;
	v2 =	vld [tilespmem:s24+$0x10]  }
0x104: {  	v5 =	vmul.f32 v5, v5;
	v29 =	vld [tilespmem:s24+$0x30];
	v38 =	vmul.f32 v26, v11;
	(xrf2) =	vadd.scan.msk.f32 $0xffff, v25;
	v25 =	vadd.f32 v9, v4  }
0x105: {  	v28 =	vld [tilespmem:s24+$0x60];
	v52 =	vmul.f32 v44, v15;
	v54 =	vmul.f32 v26, v26  }
0x106: {  	v47 =	vmul.f32 v34, v59;
	v22 =	vmul.f32 v7, v50;
	v58, _, _ =	vpop (xrf2);
	(xrf2) =	vadd.scan.msk.f32 $0xffff, v25;
	v25 =	vld [tilespmem:$0x1FF70]  }
0x107: {  	v30 =	vld [tilespmem:s24+$0x70];
	v46 =	vmul.f32 v31, v57;
	v50 =	vmul.f32 v36, v12  }
0x108: {  	v51 =	vmul.f32 v41, v14;
	v7 =	vmul.f32 v7, v7  }
0x109: {  	v27 =	vmul.f32 v3, v57;
	v3 =	vmul.f32 v3, v3  }
0x10a: {  	v37 =	vmul.f32 v2, v59;
	v39 =	vmul.f32 v29, v12;
	v60, _, _ =	vpop (xrf2)  }
0x10b: {  	v0 =	vld [tilespmem:s24+$0x40];
	v43 =	vmul.f32 v28, v15;
	v4 =	vmul.f32 v60, v25  }
0x10c: {  	v48 =	vld [tilespmem:s25+$0x70];
	v45 =	vmul.f32 v30, v16;
	v2 =	vmul.f32 v2, v2  }
0x10d: {  	v10 =	vld [tilespmem:s25+$0x20];
	v55 =	vmul.f32 v29, v29;
	v1 =	vmul.f32 v58, v25;
	v4 =	vmax.f32 v4, $1.000000020e-16  }
0x10e: {  	v53 =	vmul.f32 v28, v28;
	(erf) = vrcp.f32 v4  }
0x10f: {  	v57 =	vmul.f32 v30, v30;
	v59 =	vmul.f32 v34, v34;
	v1 =	vmax.f32 v1, $1.000000020e-16  }
0x110: {  	v40 =	vmul.f32 v0, v13;
	(erf) = vrcp.f32 v1  }
0x111: {  	v0 =	vmul.f32 v0, v0;
	v2 =	vadd.f32 v56, v2;
	v56 =	vmul.f32 v48, v48  }
0x112: {  	v9 =	vld [tilespmem:s25+$0x40];
	v49 =	vmul.f32 v10, v11;
	v10 =	vmul.f32 v10, v10  }
0x113: {  	v57 =	vadd.f32 v57, v55;
	v61, _, _ =	vpop (xrf2);
	v25 =	vmul.f32 v23, v23;
	v23 =	vmul.f32 v6, v6  }
0x114: {  	v0 =	vadd.f32 v0, v3;
	v6 =	vmul.f32 v8, v8;
	v58 =	vmul.f32 v31, v31;
	v8, _, _ =	vpop (xrf2)  }
0x115: {  	v60 =	vadd.f32 v40, v27;
	v31 =	vadd.f32 v43, v38;
	v26 =	vand.u32 $0x7FFFFFFF, v8  }
0x116: {  	v27 =	vadd.f32 v51, v47;
	v43 =	vmul.f32 v44, v44;
	v8 =	vmul.f32 v26, v8  }
0x117: {  	v51 =	vadd.f32 v53, v54;
	v4 =	vmul.f32 v9, v13;
	v26 =	vand.u32 $0x7FFFFFFF, v61;
	v29 =	vpop (erf)  }
0x118: {  	v38 =	vld [tilespmem:s25+$0x430];
	v44 =	vadd.f32 v43, v10;
	v26 =	vmul.f32 v26, v61;
	v8 =	vmul.f32 v29, v8  }
0x119: {  	v33 =	vld [tilespmem:s24+$0x430];
	v51 =	vadd.f32 v7, v51;
	v9 =	vmul.f32 v9, v9;
	v1 =	vmul.f32 v48, v16;
	v28 =	vpop (erf)  }
0x11a: {  	v34 =	vld [tilespmem:s25+$0x400];
	v48 =	vadd.f32 v6, v0;
	v26 =	vmul.f32 v28, v26;
	vm0 =	vgt.f32 v8, v17  }
0x11b: {  	v30 =	vadd.f32 v4, v46;
	v61 =	vadd.f32 v42, v37;
	v37 =	vld [tilespmem:s25+$0x410];
	v8 =	vsel vm0, v8, v17  }
0x11c: {  	s31 =	sadd.s32 s20, s11;
	s20 =	smov.u32 s22;
	s22 =	sadd.s32 $0x2, s22;
	v46 =	vadd.f32 v9, v58;
	v42 =	vmul.f32 v41, v41;
	vm15 =	vgt.f32 v26, v8  }
0x11d: {  	p0 =	slt.u32 s22, $0x3E;
	v55 =	vmul.f32 v38, v38;
	v17 =	vsel vm15, v26, v8;
	v8 =	vmul.f32 v36, v36;
	v36 =	vld [tilespmem:s25+$0x420]  }
.Ltmp1:
0x11e: {  	v40 =	vld [tilespmem:s25+$0x440];
	v47 =	vadd.f32 v42, v59;
	v59 =	vmul.f32 v33, v33;
	v42 =	vadd.f32 v32, v60;
	(pc) =	sbr.rel @p0 .LBB2_4-.Ltmp1, $4  }
0x11f: {  	s28 =	sadd.s32 $0x42, s31;
	v41 =	vld [tilespmem:s25+$0x450];
	v43 =	vadd.f32 v35, v61;
	v29 =	vadd.f32 v1, v50;
	v50 =	vmul.f32 v34, v34  }
0x120: {  	s26 =	sadd.s32 $0x43, s31;
	v32 =	vld [tilespmem:s25+$0x460];
	v53 =	vmul.f32 v37, v37;
	v28 =	vadd.f32 v52, v49;
	v18 =	vsel vm0, s28, v18  }
0x121: {  	v35 =	vld [tilespmem:s25+$0x470];
	v49 =	vadd.f32 v5, v2;
	v52 =	vadd.f32 v59, v57;
	v18 =	vsel vm15, s26, v18  }
0x122: {  	s23 =	sadd.s32 $0x200, s23;
	v26 =	vadd.f32 v45, v39;
	v39 =	vld [tilespmem:s24+$0x470];
	v45 =	vadd.f32 v56, v8;
	v54 =	vmul.f32 v36, v36  }
0x123: {  	_ = 	snop  }
0x124: {  	v0 =	vadd.f32 v50, v46;
	v1 =	vadd.f32 v53, v47  }
0x125: {  	v7 =	vadd.f32 v24, v48;
	v8 =	vadd.f32 v25, v49  }
0x126: {  	v5 =	vmul.f32 v40, v40;
	v10 =	vadd.f32 v23, v51;
	v3 =	vadd.f32 v54, v44  }
0x127: {  	v4 =	vadd.f32 v55, v45;
	v6 =	vmul.f32 v41, v41;
	v2 =	vmul.f32 v39, v39  }
0x128: {  	v58 =	vld [tilespmem:$0x1FF50];
	v9 =	vmul.f32 v32, v32;
	v0 =	vadd.f32 v5, v0;
	v23 =	vmul.f32 v35, v35  }
0x129: {  	v60 =	vld [tilespmem:$0x1FFA0];
	v1 =	vadd.f32 v6, v1;
	v2 =	vadd.f32 v2, v52  }
0x12a: {  	v25 =	vld [tilespmem:$0x1FFC0];
	v3 =	vadd.f32 v9, v3;
	v4 =	vadd.f32 v23, v4  }
0x12b: {  	v24 =	vld [tilespmem:$0x1FFD0];
	v56 =	vadd.f32 v8, v7;
	v2 =	vadd.f32 v2, v10  }
0x12c: {  	v0 =	vadd.f32 v1, v0;
	v57 =	vadd.f32 v4, v3  }
0x12d: {  	v2 =	vadd.f32 v2, v56  }
0x12e: {  	v61 =	vmul.f32 v34, v60;
	v34 =	vadd.f32 v22, v31;
	v22 =	vld [tilespmem:$0x1FF60];
	v0 =	vadd.f32 v57, v0  }
0x12f: {  	v9 =	vadd.f32 v19, v42;
	v59 =	vmul.f32 v33, v58;
	v33 =	vmul.f32 v37, v25;
	v23 =	vld [tilespmem:$0x1FF90];
	(xrf2) =	vadd.scan.msk.f32 $0xffff, v2  }
0x130: {  	v36 =	vmul.f32 v36, v24;
	v38 =	vmul.f32 v38, v58;
	v37 =	vadd.f32 v61, v30;
	(xrf2) =	vadd.scan.msk.f32 $0xffff, v0  }
0x131: {  	v47 =	vmul.f32 v40, v62;
	v3 =	vadd.f32 v59, v26;
	v45 =	vadd.f32 v33, v27  }
0x132: {  	v19 =	vmul.f32 v32, v63;
	v6 =	vadd.f32 v36, v28;
	v4 =	vadd.f32 v38, v29  }
0x133: {  	v5 =	vadd.f32 v21, v34;
	v10 =	vadd.f32 v20, v43;
	v46 =	vmul.f32 v39, v22  }
0x134: {  	v6 =	vadd.f32 v19, v6;
	v8 =	vmul.f32 v41, v23;
	v48 =	vmul.f32 v35, v22  }
0x135: {  	v1 =	vadd.f32 v46, v3;
	v2 =	vadd.f32 v47, v37  }
0x136: {  	v53 =	vld [tilespmem:$0x1FF70];
	v3 =	vadd.f32 v48, v4;
	v0 =	vadd.f32 v8, v45  }
0x137: {  	v49 =	vadd.f32 v10, v9;
	v1 =	vadd.f32 v1, v5  }
0x138: {  	v50 =	vadd.f32 v3, v6;
	v0 =	vadd.f32 v0, v2  }
0x139: {  	v1 =	vadd.f32 v1, v49;
	v51, _, _ =	vpop (xrf2)  }
0x13a: {  	v0 =	vadd.f32 v50, v0;
	v52, _, _ =	vpop (xrf2)  }
0x13b: {  	(xrf2) =	vadd.scan.msk.f32 $0xffff, v1;
	v54 =	vmul.f32 v52, v53  }
0x13c: {  	(xrf2) =	vadd.scan.msk.f32 $0xffff, v0;
	v55 =	vmul.f32 v51, v53  }
0x13d: {  	v1 =	vmax.f32 v54, $1.000000020e-16  }
0x13e: {  	v0 =	vmax.f32 v55, $1.000000020e-16;
	(erf) = vrcp.f32 v1  }
0x13f: {  	(erf) = vrcp.f32 v0;
	_ =	sdelay $0x5  }
0x140: {  	v56, _, _ =	vpop (xrf2)  }
0x141: {  	v57, _, _ =	vpop (xrf2)  }
0x142: {  	s22 =	simm.s32 $0x0;
	v58 =	vpop (erf)  }
0x143: {  	[tilespmem:s14], [sflag:$0x2] =	stream.linear.gather [hbm4b:s8+s22], $0x4000, $0x38;
	v59 =	vpop (erf);
	[tilespmem:$0x8200] =	vst v63  }
0x144: {  	s21 =	simm.s32 $0x80;
	s22 =	sand.u32 $0x3800, s22;
	_ =	swait.ge [sflag:s15], $0x4000  }
0x145: {  	s30 =	sand.u32 $0x380, s21;
	s23 =	sor.u32 $0x100, s22;
	[sflag:s15] =	ssyncset.done $0x0  }
0x146: {  	s22 =	sadd.s32 s30, s23;
	[sflag:s15] =	ssyncadd.s32 $0xFFFFC000  }
0x147: {  	v4 =	vld [tilespmem:s22+$0x440]  }
0x148: {  	v5 =	vld [tilespmem:s22+$0x450]  }
0x149: {  	v6 =	vld [tilespmem:s22+$0x460]  }
0x14a: {  	v7 =	vld [tilespmem:s22+$0x400]  }
0x14b: {  	v8 =	vld [tilespmem:s22+$0x410]  }
0x14c: {  	v9 =	vld [tilespmem:s22+$0x420]  }
0x14d: {  	v27 =	vld [tilespmem:s22+$0x20]  }
0x14e: {  	v28 =	vld [tilespmem:s22+$0x30]  }
0x14f: {  	v29 =	vld [tilespmem:s22+$0x40]  }
0x150: {  	s24 =	simm.s32 $0x0;
	v19 =	vand.u32 $0x7FFFFFFF, v57;
	v30 =	vld [tilespmem:s22+$0x50]  }
0x151: {  	s24 =	sand.u32 $0x300, s24;
	v20 =	vand.u32 $0x7FFFFFFF, v56;
	v1 =	vmul.f32 v19, v57;
	v31 =	vld [tilespmem:s22+$0x60]  }
0x152: {  	s23 =	sadd.s32 s24, s23;
	v0 =	vmul.f32 v20, v56;
	v32 =	vld [tilespmem:s22+$0x70]  }
0x153: {  	v1 =	vmul.f32 v58, v1;
	v3 =	vld [tilespmem:s23+$0x20]  }
0x154: {  	v0 =	vmul.f32 v59, v0;
	v34 =	vld [tilespmem:s23+$0x30];
	v19 =	vmul.f32 v4, v62  }
0x155: {  	v37 =	vld [tilespmem:s23+$0x40];
	v20 =	vmul.f32 v5, v23;
	v35 =	vmul.f32 v7, v60  }
0x156: {  	v39 =	vld [tilespmem:s23+$0x50];
	v21 =	vmul.f32 v6, v63;
	v43 =	vmul.f32 v8, v25  }
0x157: {  	v42 =	vld [tilespmem:s23+$0x60];
	v22 =	vmul.f32 v9, v24;
	v40 =	vmul.f32 v27, v11  }
0x158: {  	v46 =	vld [tilespmem:s23+$0x70];
	v41 =	vmul.f32 v28, v12;
	v60 =	vmul.f32 v29, v13  }
0x159: {  	v26 =	vld [tilespmem:s22+$0x10];
	v61 =	vmul.f32 v30, v14;
	v47 =	vmul.f32 v31, v15  }
0x15a: {  	v48 =	vmul.f32 v32, v16;
	v51 =	vmul.f32 v3, v11  }
0x15b: {  	v52 =	vmul.f32 v34, v12;
	v53 =	vmul.f32 v37, v13  }
0x15c: {  	v54 =	vmul.f32 v39, v14;
	v55 =	vmul.f32 v42, v15  }
0x15d: {  	vm0 =	vgt.f32 v1, v17;
	v10 =	vld [tilespmem:s22+$0x0];
	v56 =	vmul.f32 v46, v16;
	v25 =	vmul.f32 v5, v5  }
0x15e: {  	v1 =	vsel vm0, v1, v17;
	v33 =	vld [tilespmem:s23+$0x0];
	v5 =	vmul.f32 v8, v8;
	v8 =	vmul.f32 v26, v26  }
0x15f: {  	vm15 =	vgt.f32 v0, v1;
	v23 =	vld [tilespmem:$0x1FFE0];
	v57 =	vmul.f32 v28, v28;
	v58 =	vmul.f32 v29, v29  }
0x160: {  	v17 =	vsel vm15, v0, v1;
	v24 =	vld [tilespmem:$0x1FFF0];
	v59 =	vmul.f32 v30, v30;
	v0 =	vmul.f32 v31, v31  }
0x161: {  	v2 =	vld [tilespmem:s23+$0x10];
	v1 =	vmul.f32 v32, v32;
	v3 =	vmul.f32 v3, v3  }
0x162: {  	v45 =	vmul.f32 v34, v34;
	v39 =	vmul.f32 v39, v39;
	v31 =	vadd.f32 v47, v40  }
0x163: {  	v28 =	vadd.f32 v55, v51;
	v29 =	vadd.f32 v56, v52;
	v56 =	vmul.f32 v42, v42  }
0x164: {  	v8 =	vadd.f32 v59, v8;
	v59 =	vmul.f32 v46, v46;
	v36 =	vmul.f32 v10, v23  }
0x165: {  	v1 =	vadd.f32 v1, v57;
	v38 =	vmul.f32 v26, v24;
	v49 =	vmul.f32 v33, v23  }
0x166: {  	s20 =	sadd.s32 s20, s11;
	v44 =	vadd.f32 v56, v3;
	v50 =	vmul.f32 v2, v24;
	v24 =	vmul.f32 v4, v4  }
0x167: {  	s31 =	sadd.s32 $0x42, s20;
	v45 =	vadd.f32 v59, v45;
	v23 =	vmul.f32 v6, v6;
	v4 =	vmul.f32 v7, v7  }
0x168: {  	v34 =	vld [tilespmem:s23+$0x400];
	v6 =	vmul.f32 v10, v10;
	v7 =	vmul.f32 v9, v9;
	v9 =	vsel vm0, s31, v18  }
0x169: {  	s20 =	sadd.s32 $0x43, s20;
	v10 =	vmul.f32 v27, v27;
	v26 =	vadd.f32 v48, v41;
	v48 =	vmul.f32 v37, v37;
	v37 =	vld [tilespmem:s23+$0x410]  }
0x16a: {  	v18 =	vsel vm15, s20, v9;
	v9 =	vmul.f32 v33, v33;
	v33 =	vld [tilespmem:s22+$0x430];
	v32 =	vadd.f32 v60, v36  }
0x16b: {  	v2 =	vmul.f32 v2, v2;
	v60 =	vadd.f32 v61, v38;
	v30 =	vadd.f32 v53, v49;
	v36 =	vld [tilespmem:s23+$0x420]  }
0x16c: {  	v27 =	vadd.f32 v54, v50;
	v6 =	vadd.f32 v58, v6;
	v38 =	vld [tilespmem:s23+$0x430]  }
0x16d: {  	v40 =	vld [tilespmem:s23+$0x440];
	v0 =	vadd.f32 v0, v10;
	v47 =	vadd.f32 v39, v2  }
0x16e: {  	v41 =	vld [tilespmem:s23+$0x450];
	v50 =	vmul.f32 v34, v34;
	v49 =	vadd.f32 v5, v8;
	v46 =	vadd.f32 v48, v9  }
0x16f: {  	v39 =	vld [tilespmem:s22+$0x470];
	v42 =	vadd.f32 v35, v32;
	v43 =	vadd.f32 v43, v60;
	v61 =	vmul.f32 v33, v33  }
0x170: {  	v32 =	vld [tilespmem:s23+$0x460];
	v48 =	vadd.f32 v4, v6;
	v51 =	vadd.f32 v7, v0;
	v53 =	vmul.f32 v37, v37  }
0x171: {  	s20 =	simm.s32 $0xFFFFFFFE;
	s22 =	simm.s32 $0x0;
	v35 =	vld [tilespmem:s23+$0x470];
	s23 =	simm.s32 $0x200;
	v54 =	vmul.f32 v36, v36;
	v55 =	vmul.f32 v38, v38;
	v52 =	vadd.f32 v61, v1  }
.LBB2_6:
0x172: {  	v61 =	vld [tilespmem:$0x1FF50]  }
0x173: {  	v22 =	vadd.f32 v22, v31;
	v57 =	vld [tilespmem:$0x1FFE0]  }
0x174: {  	v59 =	vld [tilespmem:$0x1FFF0];
	v0 =	vadd.f32 v50, v46;
	v1 =	vadd.f32 v53, v47  }
0x175: {  	v3 =	vadd.f32 v54, v44;
	v7 =	vadd.f32 v24, v48;
	v48 =	vld [tilespmem:$0x1FFA0]  }
0x176: {  	v4 =	vadd.f32 v55, v45;
	v8 =	vadd.f32 v25, v49;
	v49 =	vld [tilespmem:$0x1FFC0]  }
0x177: {  	s24 =	sand.u32 $0x3800, s23;
	s21 =	sadd.s32 $0x100, s21;
	v10 =	vadd.f32 v23, v51;
	v50 =	vld [tilespmem:$0x1FFD0];
	v20 =	vadd.f32 v20, v43;
	v2 =	vmul.f32 v39, v39  }
0x178: {  	s25 =	sor.u32 $0x100, s24;
	s30 =	sand.u32 $0x380, s21;
	v53 =	vld [tilespmem:$0x1FF60];
	v21 =	vadd.f32 v21, v22;
	v5 =	vmul.f32 v40, v40;
	v6 =	vmul.f32 v41, v41  }
0x179: {  	v55 =	vld [tilespmem:$0x1FF90];
	s24 =	sadd.s32 s30, s25;
	v7 =	vadd.f32 v8, v7;
	v9 =	vmul.f32 v32, v32;
	v60 =	vmul.f32 v35, v35  }
0x17a: {  	s26 =	sadd.s32 $0xFFFFFF80, s21;
	v24 =	vld [tilespmem:s24+$0x440];
	v56 =	vmul.f32 v32, v63;
	v2 =	vadd.f32 v2, v52;
	v0 =	vadd.f32 v5, v0  }
0x17b: {  	s26 =	sand.u32 $0x300, s26;
	v23 =	vld [tilespmem:s24+$0x450];
	v25 =	vmul.f32 v33, v61;
	v1 =	vadd.f32 v6, v1;
	v3 =	vadd.f32 v9, v3  }
0x17c: {  	v8 =	vld [tilespmem:s24+$0x400];
	s25 =	sadd.s32 s26, s25;
	v4 =	vadd.f32 v60, v4;
	v9 =	vmul.f32 v37, v49;
	v31 =	vmul.f32 v36, v50  }
0x17d: {  	v44 =	vld [tilespmem:s25+$0x60];
	v54 =	vmul.f32 v39, v53;
	v25 =	vadd.f32 v25, v26;
	v2 =	vadd.f32 v2, v10  }
0x17e: {  	v33 =	vld [tilespmem:s24+$0x50];
	v22 =	vmul.f32 v35, v53;
	v0 =	vadd.f32 v1, v0;
	v51 =	vadd.f32 v4, v3  }
0x17f: {  	v6 =	vld [tilespmem:s24+$0x460];
	v10 =	vmul.f32 v34, v48;
	v9 =	vadd.f32 v9, v27;
	v2 =	vadd.f32 v2, v7  }
0x180: {  	v5 =	vld [tilespmem:s24+$0x410];
	v27 =	vadd.f32 v31, v28;
	v28 =	vmul.f32 v40, v62;
	v31 =	vadd.f32 v19, v42  }
0x181: {  	v36 =	vld [tilespmem:s25+$0x30];
	v1 =	vadd.f32 v54, v25;
	v52 =	vadd.f32 v10, v30;
	v10 =	vmul.f32 v38, v61;
	(xrf2) =	vadd.scan.msk.f32 $0xffff, v2  }
0x182: {  	v26 =	vld [tilespmem:s24+$0x20];
	v19 =	vmul.f32 v24, v62;
	v0 =	vadd.f32 v51, v0;
	v25 =	vadd.f32 v20, v31  }
0x183: {  	v3 =	vld [tilespmem:s24+$0x0];
	v30 =	vmul.f32 v41, v55;
	v27 =	vadd.f32 v56, v27;
	v10 =	vadd.f32 v10, v29  }
0x184: {  	v32 =	vmul.f32 v8, v48;
	v34 =	vld [tilespmem:s25+$0x10];
	v1 =	vadd.f32 v1, v21;
	v4 =	vadd.f32 v28, v52  }
0x185: {  	v24 =	vmul.f32 v24, v24;
	v7 =	vld [tilespmem:s24+$0x420];
	v9 =	vadd.f32 v30, v9;
	(xrf2) =	vadd.scan.msk.f32 $0xffff, v0;
	v10 =	vadd.f32 v22, v10  }
0x186: {  	v20 =	vmul.f32 v23, v55;
	v31 =	vld [tilespmem:s25+$0x0];
	v42 =	vmul.f32 v33, v14;
	v25 =	vadd.f32 v1, v25  }
0x187: {  	v41 =	vld [tilespmem:s25+$0x50];
	v56 =	vmul.f32 v33, v33;
	v4 =	vadd.f32 v9, v4;
	v9 =	vadd.f32 v10, v27  }
0x188: {  	v21 =	vmul.f32 v6, v63;
	v35 =	vmul.f32 v5, v49;
	v2 =	vld [tilespmem:s24+$0x10]  }
0x189: {  	v5 =	vmul.f32 v5, v5;
	v29 =	vld [tilespmem:s24+$0x30];
	v38 =	vmul.f32 v26, v11;
	(xrf2) =	vadd.scan.msk.f32 $0xffff, v25;
	v25 =	vadd.f32 v9, v4  }
0x18a: {  	v28 =	vld [tilespmem:s24+$0x60];
	v52 =	vmul.f32 v44, v15;
	v54 =	vmul.f32 v26, v26  }
0x18b: {  	v47 =	vmul.f32 v34, v59;
	v22 =	vmul.f32 v7, v50;
	v58, _, _ =	vpop (xrf2);
	(xrf2) =	vadd.scan.msk.f32 $0xffff, v25;
	v25 =	vld [tilespmem:$0x1FF70]  }
0x18c: {  	v30 =	vld [tilespmem:s24+$0x70];
	v46 =	vmul.f32 v31, v57;
	v50 =	vmul.f32 v36, v12  }
0x18d: {  	v51 =	vmul.f32 v41, v14;
	v7 =	vmul.f32 v7, v7  }
0x18e: {  	v27 =	vmul.f32 v3, v57;
	v3 =	vmul.f32 v3, v3  }
0x18f: {  	v37 =	vmul.f32 v2, v59;
	v39 =	vmul.f32 v29, v12;
	v60, _, _ =	vpop (xrf2)  }
0x190: {  	v0 =	vld [tilespmem:s24+$0x40];
	v43 =	vmul.f32 v28, v15;
	v4 =	vmul.f32 v60, v25  }
0x191: {  	v48 =	vld [tilespmem:s25+$0x70];
	v45 =	vmul.f32 v30, v16;
	v2 =	vmul.f32 v2, v2  }
0x192: {  	v10 =	vld [tilespmem:s25+$0x20];
	v55 =	vmul.f32 v29, v29;
	v1 =	vmul.f32 v58, v25;
	v4 =	vmax.f32 v4, $1.000000020e-16  }
0x193: {  	v53 =	vmul.f32 v28, v28;
	(erf) = vrcp.f32 v4  }
0x194: {  	v57 =	vmul.f32 v30, v30;
	v59 =	vmul.f32 v34, v34;
	v1 =	vmax.f32 v1, $1.000000020e-16  }
0x195: {  	v40 =	vmul.f32 v0, v13;
	(erf) = vrcp.f32 v1  }
0x196: {  	v0 =	vmul.f32 v0, v0;
	v2 =	vadd.f32 v56, v2;
	v56 =	vmul.f32 v48, v48  }
0x197: {  	v9 =	vld [tilespmem:s25+$0x40];
	v49 =	vmul.f32 v10, v11;
	v10 =	vmul.f32 v10, v10  }
0x198: {  	v57 =	vadd.f32 v57, v55;
	v61, _, _ =	vpop (xrf2);
	v25 =	vmul.f32 v23, v23;
	v23 =	vmul.f32 v6, v6  }
0x199: {  	v0 =	vadd.f32 v0, v3;
	v6 =	vmul.f32 v8, v8;
	v58 =	vmul.f32 v31, v31;
	v8, _, _ =	vpop (xrf2)  }
0x19a: {  	v60 =	vadd.f32 v40, v27;
	v31 =	vadd.f32 v43, v38;
	v26 =	vand.u32 $0x7FFFFFFF, v8  }
0x19b: {  	v27 =	vadd.f32 v51, v47;
	v43 =	vmul.f32 v44, v44;
	v8 =	vmul.f32 v26, v8  }
0x19c: {  	v51 =	vadd.f32 v53, v54;
	v4 =	vmul.f32 v9, v13;
	v26 =	vand.u32 $0x7FFFFFFF, v61;
	v29 =	vpop (erf)  }
0x19d: {  	v38 =	vld [tilespmem:s25+$0x430];
	v44 =	vadd.f32 v43, v10;
	v26 =	vmul.f32 v26, v61;
	v8 =	vmul.f32 v29, v8  }
0x19e: {  	v33 =	vld [tilespmem:s24+$0x430];
	v51 =	vadd.f32 v7, v51;
	v9 =	vmul.f32 v9, v9;
	v1 =	vmul.f32 v48, v16;
	v28 =	vpop (erf)  }
0x19f: {  	v34 =	vld [tilespmem:s25+$0x400];
	v48 =	vadd.f32 v6, v0;
	v26 =	vmul.f32 v28, v26;
	vm0 =	vgt.f32 v8, v17  }
0x1a0: {  	v30 =	vadd.f32 v4, v46;
	v61 =	vadd.f32 v42, v37;
	v37 =	vld [tilespmem:s25+$0x410];
	v8 =	vsel vm0, v8, v17  }
0x1a1: {  	s31 =	sadd.s32 s20, s11;
	s20 =	smov.u32 s22;
	s22 =	sadd.s32 $0x2, s22;
	v46 =	vadd.f32 v9, v58;
	v42 =	vmul.f32 v41, v41;
	vm15 =	vgt.f32 v26, v8  }
0x1a2: {  	p0 =	slt.u32 s22, $0x3E;
	v55 =	vmul.f32 v38, v38;
	v17 =	vsel vm15, v26, v8;
	v8 =	vmul.f32 v36, v36;
	v36 =	vld [tilespmem:s25+$0x420]  }
.Ltmp2:
0x1a3: {  	v40 =	vld [tilespmem:s25+$0x440];
	v47 =	vadd.f32 v42, v59;
	v59 =	vmul.f32 v33, v33;
	v42 =	vadd.f32 v32, v60;
	(pc) =	sbr.rel @p0 .LBB2_6-.Ltmp2, $4  }
0x1a4: {  	s28 =	sadd.s32 $0x82, s31;
	v41 =	vld [tilespmem:s25+$0x450];
	v43 =	vadd.f32 v35, v61;
	v29 =	vadd.f32 v1, v50;
	v50 =	vmul.f32 v34, v34  }
0x1a5: {  	s26 =	sadd.s32 $0x83, s31;
	v32 =	vld [tilespmem:s25+$0x460];
	v53 =	vmul.f32 v37, v37;
	v28 =	vadd.f32 v52, v49;
	v18 =	vsel vm0, s28, v18  }
0x1a6: {  	v35 =	vld [tilespmem:s25+$0x470];
	v49 =	vadd.f32 v5, v2;
	v52 =	vadd.f32 v59, v57;
	v18 =	vsel vm15, s26, v18  }
0x1a7: {  	s23 =	sadd.s32 $0x200, s23;
	v26 =	vadd.f32 v45, v39;
	v39 =	vld [tilespmem:s24+$0x470];
	v45 =	vadd.f32 v56, v8;
	v54 =	vmul.f32 v36, v36  }
0x1a8: {  	_ = 	snop  }
0x1a9: {  	v0 =	vadd.f32 v50, v46;
	v1 =	vadd.f32 v53, v47  }
0x1aa: {  	v7 =	vadd.f32 v24, v48;
	v8 =	vadd.f32 v25, v49  }
0x1ab: {  	v5 =	vmul.f32 v40, v40;
	v10 =	vadd.f32 v23, v51;
	v3 =	vadd.f32 v54, v44  }
0x1ac: {  	v59 =	vld [tilespmem:$0x1FF50];
	v4 =	vadd.f32 v55, v45;
	v6 =	vmul.f32 v41, v41;
	v2 =	vmul.f32 v39, v39  }
0x1ad: {  	v25 =	vld [tilespmem:$0x1FFC0];
	v9 =	vmul.f32 v32, v32;
	v0 =	vadd.f32 v5, v0;
	v23 =	vmul.f32 v35, v35  }
0x1ae: {  	v44 =	vld [tilespmem:$0x1FFA0];
	v1 =	vadd.f32 v6, v1;
	v2 =	vadd.f32 v2, v52  }
0x1af: {  	v24 =	vld [tilespmem:$0x1FFD0];
	v3 =	vadd.f32 v9, v3;
	v4 =	vadd.f32 v23, v4  }
0x1b0: {  	v57 =	vadd.f32 v8, v7;
	v2 =	vadd.f32 v2, v10  }
0x1b1: {  	v0 =	vadd.f32 v1, v0;
	v58 =	vadd.f32 v4, v3  }
0x1b2: {  	v60 =	vmul.f32 v33, v59;
	v2 =	vadd.f32 v2, v57  }
0x1b3: {  	v61 =	vmul.f32 v34, v44;
	v34 =	vadd.f32 v22, v31;
	v22 =	vld [tilespmem:$0x1FF60];
	v0 =	vadd.f32 v58, v0  }
0x1b4: {  	v33 =	vmul.f32 v37, v25;
	v36 =	vmul.f32 v36, v24;
	v23 =	vld [tilespmem:$0x1FF90];
	(xrf2) =	vadd.scan.msk.f32 $0xffff, v2  }
0x1b5: {  	v9 =	vadd.f32 v19, v42;
	v38 =	vmul.f32 v38, v59;
	v3 =	vadd.f32 v60, v26;
	(xrf2) =	vadd.scan.msk.f32 $0xffff, v0  }
0x1b6: {  	v47 =	vmul.f32 v40, v62;
	v45 =	vadd.f32 v33, v27;
	v6 =	vadd.f32 v36, v28  }
0x1b7: {  	v19 =	vmul.f32 v32, v63;
	v4 =	vadd.f32 v38, v29;
	v37 =	vadd.f32 v61, v30  }
0x1b8: {  	v10 =	vadd.f32 v20, v43;
	v5 =	vadd.f32 v21, v34;
	v46 =	vmul.f32 v39, v22  }
0x1b9: {  	v6 =	vadd.f32 v19, v6;
	v8 =	vmul.f32 v41, v23;
	v48 =	vmul.f32 v35, v22  }
0x1ba: {  	v2 =	vadd.f32 v47, v37;
	v1 =	vadd.f32 v46, v3  }
0x1bb: {  	v53 =	vld [tilespmem:$0x1FF70];
	v0 =	vadd.f32 v8, v45;
	v3 =	vadd.f32 v48, v4  }
0x1bc: {  	v49 =	vadd.f32 v10, v9;
	v1 =	vadd.f32 v1, v5  }
0x1bd: {  	v0 =	vadd.f32 v0, v2;
	v50 =	vadd.f32 v3, v6  }
0x1be: {  	v1 =	vadd.f32 v1, v49;
	v51, _, _ =	vpop (xrf2)  }
0x1bf: {  	v0 =	vadd.f32 v50, v0;
	v52, _, _ =	vpop (xrf2)  }
0x1c0: {  	(xrf2) =	vadd.scan.msk.f32 $0xffff, v1;
	v54 =	vmul.f32 v52, v53  }
0x1c1: {  	(xrf2) =	vadd.scan.msk.f32 $0xffff, v0;
	v55 =	vmul.f32 v51, v53  }
0x1c2: {  	v1 =	vmax.f32 v54, $1.000000020e-16  }
0x1c3: {  	v0 =	vmax.f32 v55, $1.000000020e-16;
	(erf) = vrcp.f32 v1  }
0x1c4: {  	(erf) = vrcp.f32 v0;
	_ =	sdelay $0x5  }
0x1c5: {  	v56, _, _ =	vpop (xrf2)  }
0x1c6: {  	v57, _, _ =	vpop (xrf2)  }
0x1c7: {  	v58 =	vpop (erf)  }
0x1c8: {  	s22 =	simm.s32 $0x0;
	v59 =	vpop (erf)  }
0x1c9: {  	s21 =	simm.s32 $0x80;
	s22 =	sand.u32 $0x3800, s22;
	_ =	swait.ge [sflag:s16], $0x4000  }
0x1ca: {  	s30 =	sand.u32 $0x380, s21;
	s23 =	sor.u32 $0x4100, s22;
	[sflag:s16] =	ssyncset.done $0x0  }
0x1cb: {  	s22 =	sadd.s32 s30, s23;
	[sflag:s16] =	ssyncadd.s32 $0xFFFFC000  }
0x1cc: {  	v4 =	vld [tilespmem:s22+$0x440]  }
0x1cd: {  	v5 =	vld [tilespmem:s22+$0x450]  }
0x1ce: {  	v6 =	vld [tilespmem:s22+$0x460]  }
0x1cf: {  	v60 =	vld [tilespmem:s22+$0x400]  }
0x1d0: {  	v8 =	vld [tilespmem:s22+$0x410]  }
0x1d1: {  	v9 =	vld [tilespmem:s22+$0x420]  }
0x1d2: {  	v27 =	vld [tilespmem:s22+$0x20]  }
0x1d3: {  	v28 =	vld [tilespmem:s22+$0x30]  }
0x1d4: {  	v29 =	vld [tilespmem:s22+$0x40]  }
0x1d5: {  	s24 =	simm.s32 $0x0;
	v30 =	vld [tilespmem:s22+$0x50]  }
0x1d6: {  	s24 =	sand.u32 $0x300, s24;
	v20 =	vand.u32 $0x7FFFFFFF, v56;
	v19 =	vand.u32 $0x7FFFFFFF, v57;
	v31 =	vld [tilespmem:s22+$0x60]  }
0x1d7: {  	s23 =	sadd.s32 s24, s23;
	v0 =	vmul.f32 v20, v56;
	v1 =	vmul.f32 v19, v57;
	v61 =	vld [tilespmem:s22+$0x70]  }
0x1d8: {  	v3 =	vld [tilespmem:s23+$0x20]  }
0x1d9: {  	v1 =	vmul.f32 v58, v1;
	v0 =	vmul.f32 v59, v0;
	v34 =	vld [tilespmem:s23+$0x30]  }
0x1da: {  	v36 =	vld [tilespmem:s23+$0x40];
	v19 =	vmul.f32 v4, v62;
	v20 =	vmul.f32 v5, v23  }
0x1db: {  	v38 =	vld [tilespmem:s23+$0x50];
	v41 =	vmul.f32 v60, v44;
	v21 =	vmul.f32 v6, v63  }
0x1dc: {  	v43 =	vld [tilespmem:s23+$0x60];
	v42 =	vmul.f32 v8, v25;
	v22 =	vmul.f32 v9, v24  }
0x1dd: {  	v46 =	vld [tilespmem:s23+$0x70];
	v39 =	vmul.f32 v27, v11;
	v40 =	vmul.f32 v28, v12  }
0x1de: {  	v44 =	vmul.f32 v29, v13;
	v45 =	vmul.f32 v30, v14  }
0x1df: {  	v26 =	vld [tilespmem:s22+$0x10];
	v47 =	vmul.f32 v31, v15;
	v48 =	vmul.f32 v61, v16  }
0x1e0: {  	v51 =	vmul.f32 v3, v11;
	v52 =	vmul.f32 v34, v12  }
0x1e1: {  	v53 =	vmul.f32 v36, v13;
	v54 =	vmul.f32 v38, v14  }
0x1e2: {  	v10 =	vld [tilespmem:s22+$0x0];
	v55 =	vmul.f32 v43, v15;
	v56 =	vmul.f32 v46, v16  }
0x1e3: {  	vm0 =	vgt.f32 v1, v17;
	v33 =	vld [tilespmem:s23+$0x0];
	v25 =	vmul.f32 v5, v5;
	v5 =	vmul.f32 v8, v8  }
0x1e4: {  	v1 =	vsel vm0, v1, v17;
	v23 =	vld [tilespmem:$0x1FFE0];
	v7 =	vmul.f32 v9, v9;
	v8 =	vmul.f32 v26, v26  }
0x1e5: {  	s20 =	sadd.s32 s20, s11;
	vm15 =	vgt.f32 v0, v1;
	v24 =	vld [tilespmem:$0x1FFF0];
	v57 =	vmul.f32 v28, v28;
	v58 =	vmul.f32 v29, v29  }
0x1e6: {  	s31 =	sadd.s32 $0x82, s20;
	v2 =	vld [tilespmem:s23+$0x10];
	v17 =	vsel vm15, v0, v1;
	v59 =	vmul.f32 v30, v30;
	v0 =	vmul.f32 v31, v31  }
0x1e7: {  	s20 =	sadd.s32 $0x83, s20;
	v9 =	vsel vm0, s31, v18;
	v61 =	vmul.f32 v61, v61;
	v3 =	vmul.f32 v3, v3  }
0x1e8: {  	v38 =	vmul.f32 v38, v38;
	v43 =	vmul.f32 v43, v43;
	v18 =	vsel vm15, s20, v9  }
0x1e9: {  	v9 =	vmul.f32 v33, v33;
	v31 =	vadd.f32 v47, v39;
	v47 =	vmul.f32 v36, v36  }
0x1ea: {  	v28 =	vadd.f32 v55, v51;
	v35 =	vmul.f32 v10, v23;
	v37 =	vmul.f32 v26, v24  }
0x1eb: {  	v29 =	vadd.f32 v56, v52;
	v49 =	vmul.f32 v33, v23;
	v50 =	vmul.f32 v2, v24  }
0x1ec: {  	v8 =	vadd.f32 v59, v8;
	v24 =	vmul.f32 v4, v4;
	v23 =	vmul.f32 v6, v6  }
0x1ed: {  	v36 =	vld [tilespmem:s23+$0x400];
	v1 =	vadd.f32 v61, v57;
	v4 =	vmul.f32 v60, v60;
	v60 =	vmul.f32 v10, v10  }
0x1ee: {  	v39 =	vld [tilespmem:s23+$0x410];
	v10 =	vmul.f32 v27, v27;
	v26 =	vadd.f32 v48, v40;
	v32 =	vadd.f32 v44, v35  }
0x1ef: {  	v2 =	vmul.f32 v2, v2;
	v33 =	vadd.f32 v45, v37;
	v35 =	vld [tilespmem:s22+$0x430];
	v30 =	vadd.f32 v53, v49  }
0x1f0: {  	v45 =	vmul.f32 v34, v34;
	v27 =	vadd.f32 v54, v50;
	v34 =	vld [tilespmem:s23+$0x420];
	v6 =	vadd.f32 v58, v60  }
0x1f1: {  	v60 =	vmul.f32 v46, v46;
	v37 =	vld [tilespmem:s23+$0x430];
	v0 =	vadd.f32 v0, v10;
	v46 =	vadd.f32 v47, v9  }
0x1f2: {  	v40 =	vld [tilespmem:s23+$0x440];
	v47 =	vadd.f32 v38, v2;
	v44 =	vadd.f32 v43, v3  }
0x1f3: {  	v38 =	vld [tilespmem:s22+$0x470];
	v50 =	vmul.f32 v36, v36;
	v49 =	vadd.f32 v5, v8;
	v45 =	vadd.f32 v60, v45  }
0x1f4: {  	v43 =	vld [tilespmem:s23+$0x450];
	v41 =	vadd.f32 v41, v32;
	v42 =	vadd.f32 v42, v33;
	v61 =	vmul.f32 v35, v35  }
0x1f5: {  	v53 =	vmul.f32 v39, v39;
	v32 =	vld [tilespmem:s23+$0x460];
	v48 =	vadd.f32 v4, v6;
	v51 =	vadd.f32 v7, v0  }
0x1f6: {  	s20 =	simm.s32 $0xFFFFFFFE;
	s22 =	simm.s32 $0x0;
	v33 =	vld [tilespmem:s23+$0x470];
	s23 =	simm.s32 $0x200;
	v54 =	vmul.f32 v34, v34;
	v55 =	vmul.f32 v37, v37;
	v52 =	vadd.f32 v61, v1  }
.LBB2_8:
0x1f7: {  	v22 =	vadd.f32 v22, v31  }
0x1f8: {  	v61 =	vld [tilespmem:$0x1FF50];
	v0 =	vadd.f32 v50, v46;
	v1 =	vadd.f32 v53, v47  }
0x1f9: {  	v57 =	vld [tilespmem:$0x1FFE0];
	v3 =	vadd.f32 v54, v44;
	v4 =	vadd.f32 v55, v45  }
0x1fa: {  	v7 =	vadd.f32 v24, v48;
	v8 =	vadd.f32 v25, v49;
	v48 =	vld [tilespmem:$0x1FFA0]  }
0x1fb: {  	v10 =	vadd.f32 v23, v51;
	v49 =	vld [tilespmem:$0x1FFC0];
	v20 =	vadd.f32 v20, v42  }
0x1fc: {  	s24 =	sand.u32 $0x3800, s23;
	s21 =	sadd.s32 $0x100, s21;
	v50 =	vld [tilespmem:$0x1FFD0];
	v21 =	vadd.f32 v21, v22;
	v2 =	vmul.f32 v38, v38;
	v5 =	vmul.f32 v40, v40  }
0x1fd: {  	s25 =	sor.u32 $0x4100, s24;
	s30 =	sand.u32 $0x380, s21;
	v53 =	vld [tilespmem:$0x1FF60];
	v7 =	vadd.f32 v8, v7;
	v6 =	vmul.f32 v43, v43;
	v9 =	vmul.f32 v32, v32  }
0x1fe: {  	v55 =	vld [tilespmem:$0x1FF90];
	s24 =	sadd.s32 s30, s25;
	v60 =	vmul.f32 v33, v33;
	v56 =	vmul.f32 v32, v63;
	v2 =	vadd.f32 v2, v52  }
0x1ff: {  	s26 =	sadd.s32 $0xFFFFFF80, s21;
	v24 =	vld [tilespmem:s24+$0x440];
	v25 =	vmul.f32 v35, v61;
	v0 =	vadd.f32 v5, v0;
	v1 =	vadd.f32 v6, v1  }
0x200: {  	s26 =	sand.u32 $0x300, s26;
	v23 =	vld [tilespmem:s24+$0x450];
	v3 =	vadd.f32 v9, v3;
	v4 =	vadd.f32 v60, v4;
	v9 =	vmul.f32 v39, v49  }
0x201: {  	v8 =	vld [tilespmem:s24+$0x400];
	s25 =	sadd.s32 s26, s25;
	v31 =	vmul.f32 v34, v50;
	v25 =	vadd.f32 v25, v26;
	v2 =	vadd.f32 v2, v10  }
0x202: {  	v44 =	vld [tilespmem:s25+$0x60];
	v54 =	vmul.f32 v38, v53;
	v0 =	vadd.f32 v1, v0;
	v51 =	vadd.f32 v4, v3  }
0x203: {  	v35 =	vld [tilespmem:s25+$0x10];
	v10 =	vmul.f32 v36, v48;
	v9 =	vadd.f32 v9, v27;
	v2 =	vadd.f32 v2, v7  }
0x204: {  	v6 =	vld [tilespmem:s24+$0x460];
	v22 =	vmul.f32 v33, v53;
	v27 =	vadd.f32 v31, v28;
	v31 =	vadd.f32 v19, v41  }
0x205: {  	v5 =	vld [tilespmem:s24+$0x410];
	v1 =	vadd.f32 v54, v25;
	v52 =	vadd.f32 v10, v30;
	v10 =	vmul.f32 v37, v61;
	(xrf2) =	vadd.scan.msk.f32 $0xffff, v2  }
0x206: {  	v34 =	vld [tilespmem:s24+$0x50];
	v28 =	vmul.f32 v40, v62;
	v0 =	vadd.f32 v51, v0;
	v25 =	vadd.f32 v20, v31  }
0x207: {  	v60 =	vld [tilespmem:$0x1FFF0];
	v30 =	vmul.f32 v43, v55;
	v27 =	vadd.f32 v56, v27;
	v10 =	vadd.f32 v10, v29  }
0x208: {  	v26 =	vld [tilespmem:s24+$0x20];
	v1 =	vadd.f32 v1, v21;
	v4 =	vadd.f32 v28, v52  }
0x209: {  	v3 =	vld [tilespmem:s24+$0x0];
	v9 =	vadd.f32 v30, v9;
	(xrf2) =	vadd.scan.msk.f32 $0xffff, v0;
	v10 =	vadd.f32 v22, v10  }
0x20a: {  	v19 =	vmul.f32 v24, v62;
	v32 =	vmul.f32 v8, v48;
	v36 =	vld [tilespmem:s25+$0x30];
	v25 =	vadd.f32 v1, v25  }
0x20b: {  	v41 =	vld [tilespmem:s25+$0x50];
	v24 =	vmul.f32 v24, v24;
	v4 =	vadd.f32 v9, v4;
	v9 =	vadd.f32 v10, v27  }
0x20c: {  	v7 =	vld [tilespmem:s24+$0x420];
	v20 =	vmul.f32 v23, v55;
	v21 =	vmul.f32 v6, v63  }
0x20d: {  	v31 =	vld [tilespmem:s25+$0x0];
	v33 =	vmul.f32 v5, v49;
	v42 =	vmul.f32 v34, v14;
	(xrf2) =	vadd.scan.msk.f32 $0xffff, v25;
	v25 =	vadd.f32 v9, v4  }
0x20e: {  	v47 =	vmul.f32 v35, v60;
	v5 =	vmul.f32 v5, v5;
	v2 =	vld [tilespmem:s24+$0x10]  }
0x20f: {  	v56 =	vmul.f32 v34, v34;
	v38 =	vmul.f32 v26, v11;
	v58, _, _ =	vpop (xrf2);
	(xrf2) =	vadd.scan.msk.f32 $0xffff, v25;
	v25 =	vld [tilespmem:$0x1FF70]  }
0x210: {  	v29 =	vld [tilespmem:s24+$0x30];
	v52 =	vmul.f32 v44, v15;
	v54 =	vmul.f32 v26, v26  }
0x211: {  	v28 =	vld [tilespmem:s24+$0x60];
	v51 =	vmul.f32 v41, v14;
	v22 =	vmul.f32 v7, v50  }
0x212: {  	v30 =	vld [tilespmem:s24+$0x70];
	v46 =	vmul.f32 v31, v57;
	v50 =	vmul.f32 v36, v12  }
0x213: {  	v7 =	vmul.f32 v7, v7;
	v27 =	vmul.f32 v3, v57;
	v59, _, _ =	vpop (xrf2)  }
0x214: {  	v3 =	vmul.f32 v3, v3;
	v4 =	vmul.f32 v59, v25  }
0x215: {  	v0 =	vld [tilespmem:s24+$0x40];
	v37 =	vmul.f32 v2, v60;
	v39 =	vmul.f32 v29, v12  }
0x216: {  	v48 =	vld [tilespmem:s25+$0x70];
	v43 =	vmul.f32 v28, v15;
	v1 =	vmul.f32 v58, v25;
	v4 =	vmax.f32 v4, $1.000000020e-16  }
0x217: {  	v10 =	vld [tilespmem:s25+$0x20];
	v45 =	vmul.f32 v30, v16;
	(erf) = vrcp.f32 v4  }
0x218: {  	v2 =	vmul.f32 v2, v2;
	v55 =	vmul.f32 v29, v29;
	v1 =	vmax.f32 v1, $1.000000020e-16  }
0x219: {  	v53 =	vmul.f32 v28, v28;
	(erf) = vrcp.f32 v1  }
0x21a: {  	v57 =	vmul.f32 v30, v30;
	v61 =	vmul.f32 v0, v13  }
0x21b: {  	v0 =	vmul.f32 v0, v0;
	v2 =	vadd.f32 v56, v2;
	v56 =	vmul.f32 v48, v48  }
0x21c: {  	v42 =	vadd.f32 v42, v37;
	v49 =	vmul.f32 v10, v11;
	v60, _, _ =	vpop (xrf2);
	v25 =	vmul.f32 v23, v23  }
0x21d: {  	v9 =	vld [tilespmem:s25+$0x40];
	v57 =	vadd.f32 v57, v55;
	v23 =	vmul.f32 v6, v6;
	v6 =	vmul.f32 v8, v8;
	v8, _, _ =	vpop (xrf2)  }
0x21e: {  	v10 =	vmul.f32 v10, v10;
	v58 =	vmul.f32 v31, v31;
	v26 =	vand.u32 $0x7FFFFFFF, v8  }
0x21f: {  	v0 =	vadd.f32 v0, v3;
	v59 =	vmul.f32 v35, v35;
	v8 =	vmul.f32 v26, v8  }
0x220: {  	v31 =	vadd.f32 v43, v38;
	v43 =	vmul.f32 v44, v44;
	v26 =	vand.u32 $0x7FFFFFFF, v60;
	v29 =	vpop (erf)  }
0x221: {  	v42 =	vadd.f32 v33, v42;
	v26 =	vmul.f32 v26, v60;
	v8 =	vmul.f32 v29, v8  }
0x222: {  	v37 =	vld [tilespmem:s25+$0x430];
	v44 =	vadd.f32 v43, v10;
	v4 =	vmul.f32 v9, v13;
	v9 =	vmul.f32 v9, v9;
	v28 =	vpop (erf)  }
0x223: {  	v34 =	vld [tilespmem:s25+$0x420];
	v1 =	vmul.f32 v48, v16;
	v26 =	vmul.f32 v28, v26;
	vm0 =	vgt.f32 v8, v17  }
0x224: {  	v35 =	vld [tilespmem:s24+$0x430];
	v48 =	vadd.f32 v6, v0;
	v30 =	vadd.f32 v4, v46;
	v8 =	vsel vm0, v8, v17  }
0x225: {  	v60 =	vadd.f32 v61, v27;
	v27 =	vadd.f32 v51, v47;
	vm15 =	vgt.f32 v26, v8  }
0x226: {  	s31 =	sadd.s32 s20, s11;
	s20 =	smov.u32 s22;
	s22 =	sadd.s32 $0x2, s22;
	v61 =	vmul.f32 v41, v41;
	v17 =	vsel vm15, v26, v8;
	v8 =	vmul.f32 v36, v36;
	v36 =	vld [tilespmem:s25+$0x400]  }
0x227: {  	p0 =	slt.u32 s22, $0x3E;
	v55 =	vmul.f32 v37, v37;
	v51 =	vadd.f32 v53, v54;
	v26 =	vadd.f32 v45, v39;
	v39 =	vld [tilespmem:s25+$0x410]  }
.Ltmp3:
0x228: {  	v40 =	vld [tilespmem:s25+$0x440];
	v46 =	vadd.f32 v9, v58;
	v54 =	vmul.f32 v34, v34;
	v47 =	vadd.f32 v61, v59;
	(pc) =	sbr.rel @p0 .LBB2_8-.Ltmp3, $4  }
0x229: {  	s28 =	sadd.s32 $0xC2, s31;
	v33 =	vld [tilespmem:s25+$0x470];
	v61 =	vmul.f32 v35, v35;
	v41 =	vadd.f32 v32, v60;
	v51 =	vadd.f32 v7, v51  }
0x22a: {  	s26 =	sadd.s32 $0xC3, s31;
	v38 =	vld [tilespmem:s24+$0x470];
	v29 =	vadd.f32 v1, v50;
	v28 =	vadd.f32 v52, v49;
	v18 =	vsel vm0, s28, v18  }
0x22b: {  	v43 =	vld [tilespmem:s25+$0x450];
	v49 =	vadd.f32 v5, v2;
	v52 =	vadd.f32 v61, v57;
	v18 =	vsel vm15, s26, v18  }
0x22c: {  	s23 =	sadd.s32 $0x200, s23;
	v32 =	vld [tilespmem:s25+$0x460];
	v45 =	vadd.f32 v56, v8;
	v50 =	vmul.f32 v36, v36;
	v53 =	vmul.f32 v39, v39  }
0x22d: {  	v3 =	vadd.f32 v54, v44;
	v7 =	vadd.f32 v24, v48  }
0x22e: {  	v8 =	vadd.f32 v25, v49;
	v10 =	vadd.f32 v23, v51  }
0x22f: {  	v24 =	vadd.f32 v22, v31;
	v49 =	vadd.f32 v19, v41  }
0x230: {  	v5 =	vmul.f32 v40, v40;
	v11 =	vld [tilespmem:$0x1FF50];
	v0 =	vadd.f32 v50, v46;
	v1 =	vadd.f32 v53, v47  }
0x231: {  	v4 =	vadd.f32 v55, v45;
	v14 =	vmul.f32 v33, v33;
	v2 =	vmul.f32 v38, v38  }
0x232: {  	v23 =	vld [tilespmem:$0x1FFA0];
	v6 =	vmul.f32 v43, v43;
	v0 =	vadd.f32 v5, v0;
	v9 =	vmul.f32 v32, v32  }
0x233: {  	v12 =	vld [tilespmem:$0x1FF60];
	v4 =	vadd.f32 v14, v4;
	v2 =	vadd.f32 v2, v52  }
0x234: {  	v25 =	vld [tilespmem:$0x1FFC0];
	v1 =	vadd.f32 v6, v1;
	v3 =	vadd.f32 v9, v3  }
0x235: {  	v15 =	vadd.f32 v8, v7;
	v16 =	vmul.f32 v35, v11;
	v35 =	vld [tilespmem:$0x1FFD0];
	v2 =	vadd.f32 v2, v10  }
0x236: {  	v48 =	vld [tilespmem:$0x1FF90];
	v47 =	vmul.f32 v40, v62;
	v0 =	vadd.f32 v1, v0;
	v31 =	vadd.f32 v4, v3  }
0x237: {  	v50 =	vadd.f32 v20, v42;
	v51 =	vmul.f32 v32, v63;
	v2 =	vadd.f32 v2, v15  }
0x238: {  	v5 =	vmul.f32 v36, v23;
	v46 =	vmul.f32 v38, v12;
	v0 =	vadd.f32 v31, v0  }
0x239: {  	v8 =	vadd.f32 v21, v24;
	v9 =	vmul.f32 v39, v25;
	v39 =	vmul.f32 v37, v11;
	(xrf2) =	vadd.scan.msk.f32 $0xffff, v2  }
0x23a: {  	v36 =	vadd.f32 v5, v30;
	v44 =	vadd.f32 v16, v26;
	v3 =	vmul.f32 v34, v35;
	(xrf2) =	vadd.scan.msk.f32 $0xffff, v0  }
0x23b: {  	v45 =	vadd.f32 v9, v27;
	v5 =	vadd.f32 v39, v29;
	v9 =	vmul.f32 v43, v48  }
0x23c: {  	v52 =	vmul.f32 v33, v12;
	v4 =	vadd.f32 v47, v36;
	v3 =	vadd.f32 v3, v28  }
0x23d: {  	v2 =	vadd.f32 v46, v44;
	v1 =	vadd.f32 v9, v45  }
0x23e: {  	v5 =	vadd.f32 v52, v5;
	v3 =	vadd.f32 v51, v3  }
0x23f: {  	v0 =	vadd.f32 v50, v49;
	v2 =	vadd.f32 v2, v8  }
0x240: {  	v55 =	vld [tilespmem:$0x1FF70];
	v1 =	vadd.f32 v1, v4;
	v3 =	vadd.f32 v5, v3  }
0x241: {  	v0 =	vadd.f32 v2, v0  }
0x242: {  	v1 =	vadd.f32 v3, v1  }
0x243: {  	(xrf2) =	vadd.scan.msk.f32 $0xffff, v0;
	v53, _, _ =	vpop (xrf2)  }
0x244: {  	(xrf2) =	vadd.scan.msk.f32 $0xffff, v1;
	v54, _, _ =	vpop (xrf2)  }
0x245: {  	v1 =	vmul.f32 v54, v55;
	_ =	sdelay $0x1  }
0x246: {  	v0 =	vmul.f32 v53, v55;
	v1 =	vmax.f32 v1, $1.000000020e-16  }
0x247: {  	(erf) = vrcp.f32 v1  }
0x248: {  	v0 =	vmax.f32 v0, $1.000000020e-16  }
0x249: {  	(erf) = vrcp.f32 v0;
	_ =	sdelay $0x2  }
0x24a: {  	v56, _, _ =	vpop (xrf2)  }
0x24b: {  	v57, _, _ =	vpop (xrf2)  }
0x24c: {  	v58 =	vand.u32 $0x7FFFFFFF, v57  }
0x24d: {  	v1 =	vmul.f32 v58, v57  }
0x24e: {  	v59 =	vand.u32 $0x7FFFFFFF, v56;
	v60 =	vpop (erf)  }
0x24f: {  	v0 =	vmul.f32 v59, v56;
	v1 =	vmul.f32 v60, v1  }
0x250: {  	v61 =	vpop (erf)  }
0x251: {  	v0 =	vmul.f32 v61, v0;
	vm0 =	vgt.f32 v1, v17  }
0x252: {  	s20 =	sadd.s32 s20, s11;
	v1 =	vsel vm0, v1, v17  }
0x253: {  	s21 =	sadd.s32 $0xC2, s20;
	vm1 =	vgt.f32 v0, v1  }
0x254: {  	s20 =	sadd.s32 $0xC3, s20;
	v62 =	vsel vm0, s21, v18;
	v0 =	vsel vm1, v0, v1  }
0x255: {  	v63 =	vsel vm1, s20, v62;
	[tilespmem:$0x8100] =	vst v0  }
0x256: {  	[tilespmem:$0x8180] =	vst v63  }
0x257: {  	[hbm4b:s6+s3] =	stream.linear.scatter [tilespmem:s17], [sflag:$0x3], $0x80, $0x38;
	[tilespmem:$0x8200] =	vst v63  }
0x258: {  	s19 =	sadd.s32 $0x1, s19;
	_ =	swait.ge [sflag:s12], $0x80  }
0x259: {  	p0 =	sne.s32 s19, s10;
	[sflag:s12] =	ssyncset.done $0x0  }
.Ltmp4:
0x25a: {  	[sflag:s12] =	ssyncadd.s32 $0xFFFFFF80;
	(pc) =	sbr.rel @p0 .LBB2_1-.Ltmp4, $4  }
0x25b: {  	[hbm4b:s9+s3] =	stream.linear.scatter [tilespmem:s18], [sflag:$0x3], $0x80, $0x38;
	[tilespmem:$0x8200] =	vst v63  }
0x25c: {  	_ =	swait.ge [sflag:s12], $0x80  }
0x25d: {  	[sflag:s12] =	ssyncset.done $0x0  }
0x25e: {  	[sflag:s12] =	ssyncadd.s32 $0xFFFFFF80  }
0x25f: {  	_ =	sfence.sel $0x180000  }
0x260: {  	[bflag:$0x0] =	sbarrier.arrive $0xFFFF  }
0x261: {  	p0 =	sne.s32 s2, $0x0;
	_ =	strace $0x90000047  }
0x262: {  	s0 =	sadd.s32 @!p0 $0x100000, s0;
	[bflag:$0x2] =	sbarrier.arrive $0xFFFF  }
0x263: {  	[sflag:s0] =	ssyncadd.tile.s32 @!p0 $0x1;
	_ =	shalt  }
.Lfunc_end2:
_tile_overlayer_lowered:
.L_overlay_start_2:
0x264: {  	(tag) =	ssettag $0x2  }
0x265: {  	s0 =	rddreg [dreg:$0x0];
	s2 =	stileid.u32  }
0x266: {  	s1 =	rddreg [dreg:$0x1];
	p0 =	sne.s32 s2, $0x0  }
0x267: {  	s3 =	rddreg [dreg:$0x2];
	[bflag:$0x3] =	sbarrier.arrive $0xFFFF;
	s2 =	simm.s32 @!p0 $0x1C03  }
0x268: {  	[timem:s3], [sflag:s2] =	dma.local @!p0 [hbm:s0], s1  }
0x269: {  	s0 =	simm.s32 @!p0 $0x3  }
0x26a: {  	_ =	swait.ge @!p0 [sflag:s0], s1  }
0x26b: {  	s1 =	ssub.s32 @!p0 $0x0, s1;
	[sflag:s0] =	ssyncset.done @!p0 $0x0  }
0x26c: {  	[sflag:s0] =	ssyncadd.s32 @!p0 s1  }
0x26d: {  	[bflag:$0x3] =	sbarrier.arrive $0xFFFF  }
0x26e: {  	_ =	shalt  }

</sc_bundles>
